<compile_context>
chip_gen: v7x
topology: tpu7x:2x2x1
jax: 0.10.2.dev20260603
libtpu: 0.0.44.dev20260713+nightly
codegen_flags: <defaults>
</compile_context>

<pallas_src>
import jax
import jax.numpy as jnp
from jax import lax
from jax.experimental import pallas as pl
from jax.experimental.pallas import tpu as pltpu
from jax.experimental.pallas import tpu_sc as plsc

N_NODES = 10000
N_EDGES = 320000
D = 128

NC = 2
NS = 16
NW = NC * NS
EB = 128
GB = 256
ND = 80
E_PAD = NW * ND * EB
RND = 40
EV_ROUNDS = 2
NP = 10240
RS = NP // NS

BR = 1000
GRID = N_NODES // BR


def _deg_body(col_hbm, deg_hbm, colv, onesv, zv, deg_sh):
    cid = lax.axis_index("c")
    sid = lax.axis_index("s")
    wid = cid * NS + sid
    ones16 = jnp.ones((16,), jnp.float32)
    zeros16 = jnp.zeros((16,), jnp.float32)

    def o16(k, _):
        onesv[pl.ds(k * 16, 16)] = ones16
        return 0

    lax.fori_loop(0, EB // 16, o16, 0)

    def z16(k, _):
        zv[pl.ds(k * 16, 16)] = zeros16
        return 0

    lax.fori_loop(0, RS // 16, z16, 0)

    base = sid * RS
    pltpu.sync_copy(zv, deg_sh.at[pl.ds(base, RS)])
    plsc.subcore_barrier()
    pltpu.sync_copy(col_hbm.at[pl.ds(wid * ND, ND)], colv)

    def step(j, _):
        pltpu.sync_copy(onesv, deg_sh.at[colv.at[j]], add=True)
        return 0

    lax.fori_loop(0, ND, step, 0)
    plsc.subcore_barrier()
    pltpu.sync_copy(deg_sh.at[pl.ds(base, RS)], deg_hbm.at[cid, pl.ds(base, RS)])


_SC_KERNELS = {}


def _sc_kernels():
    if "deg" not in _SC_KERNELS:
        mesh = plsc.VectorSubcoreMesh(
            core_axis_name="c", subcore_axis_name="s",
            num_cores=NC, num_subcores=NS,
        )
        _SC_KERNELS["deg"] = pl.kernel(
            _deg_body,
            out_type=jax.ShapeDtypeStruct((NC, NP), jnp.float32),
            mesh=mesh,
            scratch_types=[
                pltpu.VMEM((ND, EB), jnp.int32),
                pltpu.VMEM((EB,), jnp.float32),
                pltpu.VMEM((RS,), jnp.float32),
                pltpu.VMEM_SHARED((NP,), jnp.float32),
            ],
        )
        _SC_KERNELS["edge"] = pl.kernel(
            _edge_body,
            out_type=jax.ShapeDtypeStruct((NC, NP, D), jnp.float32),
            mesh=mesh,
            scratch_types=[
                pltpu.VMEM((RND * EB,), jnp.int32),
                pltpu.VMEM((RND, EB), jnp.int32),
                pltpu.VMEM((GB, D), jnp.float32),
                pltpu.VMEM_SHARED((NP, D), jnp.float32),
                pltpu.SemaphoreType.DMA,
            ],
        )
    return _SC_KERNELS["deg"], _SC_KERNELS["edge"]


def _edge_body(g_hbm, row_hbm, col_hbm, part_hbm, rowv, colv, buf, acc_sh, sem):
    cid = lax.axis_index("c")
    sid = lax.axis_index("s")
    wid = cid * NS + sid
    base = sid * RS

    zeros16 = jnp.zeros((16,), jnp.float32)

    def zrow(i, _):
        def zc(k, _2):
            buf[i, pl.ds(k * 16, 16)] = zeros16
            return 0

        return lax.fori_loop(0, D // 16, zc, 0)

    lax.fori_loop(0, EB, zrow, 0)

    for t in range(RS // EB):
        pltpu.sync_copy(buf.at[pl.ds(0, EB)], acc_sh.at[pl.ds(base + t * EB, EB)])
    plsc.subcore_barrier()

    def round_fn(d0):
        pltpu.sync_copy(col_hbm.at[pl.ds(d0, RND)], colv)
        pltpu.sync_copy(row_hbm.at[pl.ds(d0 * EB, RND * EB)], rowv)

        def step(jj, _):
            pltpu.async_copy(g_hbm.at[rowv.at[pl.ds(jj * GB, GB)]], buf, sem).wait()
            pltpu.sync_copy(buf.at[pl.ds(0, EB)], acc_sh.at[colv.at[2 * jj]], add=True)
            pltpu.sync_copy(buf.at[pl.ds(EB, EB)], acc_sh.at[colv.at[2 * jj + 1]], add=True)
            return 0

        lax.fori_loop(0, RND // 2, step, 0)

    def r0(r, _):
        round_fn((wid * EV_ROUNDS + r) * RND)
        return 0

    lax.fori_loop(0, EV_ROUNDS, r0, 0)
    plsc.subcore_barrier()
    pltpu.sync_copy(acc_sh.at[pl.ds(base, RS)], part_hbm.at[cid, pl.ds(base, RS)])



def _prep_body(x_ref, w_ref, deg_ref, g_ref, dis_ref):
    h = jnp.dot(x_ref[...], w_ref[...], preferred_element_type=jnp.float32)
    d = lax.rsqrt(deg_ref[0] + deg_ref[1] + 1.0)
    g_ref[...] = h * d
    dis_ref[...] = d


_prep = pl.pallas_call(
    _prep_body,
    grid=(GRID,),
    in_specs=[
        pl.BlockSpec((BR, D), lambda i: (i, 0)),
        pl.BlockSpec((D, D), lambda i: (0, 0)),
        pl.BlockSpec((NC, BR, 1), lambda i: (0, i, 0)),
    ],
    out_specs=[
        pl.BlockSpec((BR, D), lambda i: (i, 0)),
        pl.BlockSpec((BR, 1), lambda i: (i, 0)),
    ],
    out_shape=[
        jax.ShapeDtypeStruct((N_NODES, D), jnp.float32),
        jax.ShapeDtypeStruct((N_NODES, 1), jnp.float32),
    ],
)


def _mid_body(p_ref, g_ref, dis_ref, b_ref, w_ref, o_ref):
    s = p_ref[0] + p_ref[1] + g_ref[...]
    d = dis_ref[...]
    a = jnp.maximum(d * s + b_ref[...], 0.0)
    o_ref[...] = d * jnp.dot(a, w_ref[...], preferred_element_type=jnp.float32)


_mid = pl.pallas_call(
    _mid_body,
    grid=(GRID,),
    in_specs=[
        pl.BlockSpec((NC, BR, D), lambda i: (0, i, 0)),
        pl.BlockSpec((BR, D), lambda i: (i, 0)),
        pl.BlockSpec((BR, 1), lambda i: (i, 0)),
        pl.BlockSpec((1, D), lambda i: (0, 0)),
        pl.BlockSpec((D, D), lambda i: (0, 0)),
    ],
    out_specs=pl.BlockSpec((BR, D), lambda i: (i, 0)),
    out_shape=jax.ShapeDtypeStruct((N_NODES, D), jnp.float32),
)


def _fin_body(p_ref, g_ref, dis_ref, b_ref, o_ref):
    o_ref[...] = dis_ref[...] * (p_ref[0] + p_ref[1] + g_ref[...]) + b_ref[...]


_fin = pl.pallas_call(
    _fin_body,
    grid=(GRID,),
    in_specs=[
        pl.BlockSpec((NC, BR, D), lambda i: (0, i, 0)),
        pl.BlockSpec((BR, D), lambda i: (i, 0)),
        pl.BlockSpec((BR, 1), lambda i: (i, 0)),
        pl.BlockSpec((1, D), lambda i: (0, 0)),
    ],
    out_specs=pl.BlockSpec((BR, D), lambda i: (i, 0)),
    out_shape=jax.ShapeDtypeStruct((N_NODES, D), jnp.float32),
)


def kernel(x, edge_index, W1, b1, W2, b2):
    _deg, _edge = _sc_kernels()
    row = edge_index[0].astype(jnp.int32)
    col = edge_index[1].astype(jnp.int32)
    pad = E_PAD - N_EDGES
    rowp = jnp.concatenate([row, jnp.zeros((pad,), jnp.int32)])
    colp = jnp.concatenate([col, jnp.full((pad,), NP - 1, jnp.int32)]).reshape(E_PAD // EB, EB)
    degp = _deg(colp)
    g1, dis = _prep(x, W1, degp.reshape(NC, NP, 1))
    p1 = _edge(g1, rowp, colp)
    g2 = _mid(p1, g1, dis, b1.reshape(1, D), W2)
    p2 = _edge(g2, rowp, colp)
    return _fin(p2, g2, dis, b2.reshape(1, D))

# --- scband reference (transcript-rebuilt; emitter-appended) ---
"""Pipeline reference for scband-gcn-16801912062630 (READ-ONLY COPY).

The authoritative reference and input builder live on the scoring server;
editing this copy changes nothing except your own understanding.
"""

import jax, jax.numpy as jnp
import numpy as np

N_NODES = 10000
N_EDGES = 320000
D_IN = 128
D_HID = 128
D_OUT = 128


def gcn_conv(x, edge_index, W, b, num_nodes):
    # PyG GCNConv: add self-loops, symmetric normalization, linear, scatter-add, bias
    row = edge_index[0]
    col = edge_index[1]
    loop = jnp.arange(num_nodes, dtype=edge_index.dtype)
    row = jnp.concatenate([row, loop])
    col = jnp.concatenate([col, loop])
    ew = jnp.ones(row.shape[0], dtype=x.dtype)
    deg = jnp.zeros((num_nodes,), dtype=x.dtype).at[col].add(ew)
    deg_inv_sqrt = jnp.where(deg > 0, deg ** -0.5, 0.0)
    norm = deg_inv_sqrt[row] * ew * deg_inv_sqrt[col]
    h = x @ W
    msg = h[row] * norm[:, None]
    out = jnp.zeros((num_nodes, W.shape[1]), dtype=x.dtype).at[col].add(msg)
    return out + b


def setup_inputs(seed: int = 0) -> dict:
    key = jax.random.key(seed)
    k1, k2, k3, k4, k5, k6 = jax.random.split(key, 6)
    x = jax.random.normal(k1, (N_NODES, D_IN), dtype=jnp.float32)
    edge_index = jax.random.randint(k2, (2, N_EDGES), 0, N_NODES, dtype=jnp.int64)
    s1 = 1.0 / np.sqrt(D_IN)
    s2 = 1.0 / np.sqrt(D_HID)
    W1 = jax.random.uniform(k3, (D_IN, D_HID), dtype=jnp.float32, minval=-s1, maxval=s1)
    b1 = jnp.zeros((D_HID,), dtype=jnp.float32)
    W2 = jax.random.uniform(k4, (D_HID, D_OUT), dtype=jnp.float32, minval=-s2, maxval=s2)
    b2 = jnp.zeros((D_OUT,), dtype=jnp.float32)
    return {"x": x, "edge_index": edge_index, "W1": W1, "b1": b1, "W2": W2, "b2": b2}


def reference(x, edge_index, W1, b1, W2, b2):
    h = gcn_conv(x, edge_index, W1, b1, N_NODES)
    h = jax.nn.relu(h)
    # dropout p=0.0 is identity
    out = gcn_conv(h, edge_index, W2, b2, N_NODES)
    return out

if __name__ == "__main__":
    import jax
    _d = setup_inputs()
    print(jax.jit(kernel)(*tuple(_d.values())))

</pallas_src>

<mosaic_0001>
#map = affine_map<(d0, d1) -> (0, 0)>
#map1 = affine_map<(d0, d1) -> (0)>
#map2 = affine_map<(d0, d1) -> (0, 0, 0)>
module attributes {stable_mosaic.version = 14 : i64} {
  func.func @_edge_body(%arg0: i32, %arg1: i32, %arg2: memref<10000x128xf32, #tpu.memory_space<hbm>>, %arg3: memref<327680xi32, #tpu.memory_space<hbm>>, %arg4: memref<2560x128xi32, #tpu.memory_space<hbm>>, %arg5: memref<2x10240x128xf32, #tpu.memory_space<hbm>>, %arg6: memref<5120xi32, #tpu.memory_space<vmem>>, %arg7: memref<40x128xi32, #tpu.memory_space<vmem>>, %arg8: memref<256x128xf32, #tpu.memory_space<vmem>>, %arg9: memref<10240x128xf32, #tpu.memory_space<vmem_shared>>, %arg10: memref<!tpu.dma_semaphore, #tpu.memory_space<semaphore_mem>>) attributes {dimension_semantics = [#tpu.dimension_semantics<core_parallel>, #tpu.dimension_semantics<subcore_parallel>], iteration_bounds = array<i64: 2, 16>, scalar_prefetch = 0 : i64, scratch_operands = 5 : i64, tpu.core_type = #tpu.core_type<sc_vector_subcore>, window_params = [{transform_indices = #map}, {transform_indices = #map1}, {transform_indices = #map}, {transform_indices = #map2}]} {
    %mul3A = arith.constant 16 : i32
    %mul3A_0 = arith.muli %arg0, %mul3A : i32
    %add3A = arith.addi %mul3A_0, %arg1 : i32
    %mul3A_1 = arith.constant 640 : i32
    %mul3A_2 = arith.muli %arg1, %mul3A_1 : i32
    %broadcast_in_dim3A = arith.constant 0.000000e+00 : f32
    %broadcast_in_dim3A_3 = vector.broadcast %broadcast_in_dim3A : f32 to vector<16xf32>
    %scan3A = arith.constant 0 : i32
    %scan3A_4 = arith.constant 0 : i32
    %scan3A_5 = arith.constant 128 : i32
    %scan3A_6 = arith.addi %scan3A_4, %scan3A_5 : i32
    %scan3A_7 = arith.constant 1 : i32
    %scan3A_8 = scf.for %scan3A_28 = %scan3A_4 to %scan3A_6 step %scan3A_7 iter_args(%scan3A_29 = %scan3A) -> (i32)  : i32 {
      %scan3A_30 = arith.constant 0 : i32
      %scan3A_31 = arith.constant 0 : i32
      %scan3A_32 = arith.constant 8 : i32
      %scan3A_33 = arith.addi %scan3A_31, %scan3A_32 : i32
      %scan3A_34 = arith.constant 1 : i32
      %scan3A_35 = scf.for %scan3A_37 = %scan3A_31 to %scan3A_33 step %scan3A_34 iter_args(%scan3A_38 = %scan3A_30) -> (i32)  : i32 {
        %mul3A_39 = arith.constant 16 : i32
        %mul3A_40 = arith.muli %scan3A_37, %mul3A_39 : i32
        %swap3A = arith.index_cast %scan3A_28 : i32 to index
        %swap3A_41 = arith.index_cast %mul3A_40 : i32 to index
        %swap3A_42 = tpu.vector_load %arg8[%swap3A, %swap3A_41] {strides = array<i32>} : memref<256x128xf32, #tpu.memory_space<vmem>>, vector<1x16xf32>,
        %swap3A_43 = vector.shape_cast %swap3A_42 : vector<1x16xf32> to vector<16xf32>
        %swap3A_44 = vector.shape_cast %broadcast_in_dim3A_3 : vector<16xf32> to vector<1x16xf32>
        tpu.vector_store %arg8[%swap3A, %swap3A_41], %swap3A_44 {strides = array<i32>} : memref<256x128xf32, #tpu.memory_space<vmem>>, vector<1x16xf32>,
        %scan3A_45 = arith.constant 0 : i32
        scf.yield %scan3A_45 : i32
      }
      %scan3A_36 = arith.constant 8 : i32
      scf.yield %scan3A_35 : i32
    }
    %scan3A_9 = arith.constant 128 : i32
    %add3A_10 = arith.constant 0 : i32
    %add3A_11 = arith.addi %mul3A_2, %add3A_10 : i32
    "tpu.region"() ({
      %run_scoped3A = tpu.sem_alloc : memref<!tpu.dma_semaphore, #tpu.memory_space<semaphore_mem>>
      %dma_start3A = arith.constant 0 : i32
      %dma_start3A_28 = arith.constant 0 : i32
      %dma_start3A_29 = tpu.memref_slice %arg8[%dma_start3A, %dma_start3A_28] : memref<256x128xf32, #tpu.memory_space<vmem>> -> memref<128x128xf32, #tpu.memory_space<vmem>>
      %dma_start3A_30 = arith.constant 0 : i32
      %dma_start3A_31 = tpu.memref_slice %arg9[%add3A_11, %dma_start3A_30] : memref<10240x128xf32, #tpu.memory_space<vmem_shared>> -> memref<128x128xf32, #tpu.memory_space<vmem_shared>>
      %dma_start3A_32 = arith.constant 0 : i32
      %dma_start3A_33 = tpu.memref_slice %arg9[%add3A_11, %dma_start3A_32] : memref<10240x128xf32, #tpu.memory_space<vmem_shared>> -> memref<128x128xf32, #tpu.memory_space<vmem_shared>>
      %dma_start3A_34 = arith.constant 0 : i32
      %dma_start3A_35 = arith.constant 0 : i32
      %dma_start3A_36 = tpu.memref_slice %arg8[%dma_start3A_34, %dma_start3A_35] : memref<256x128xf32, #tpu.memory_space<vmem>> -> memref<128x128xf32, #tpu.memory_space<vmem>>
      tpu.enqueue_dma source(%dma_start3A_36 : memref<128x128xf32, #tpu.memory_space<vmem>>) target(%dma_start3A_33 : memref<128x128xf32, #tpu.memory_space<vmem_shared>>) target_semaphore(%run_scoped3A : memref<!tpu.dma_semaphore, #tpu.memory_space<semaphore_mem>>)
      %dma_wait3A = arith.constant 0 : i32
      %dma_wait3A_37 = arith.constant 0 : i32
      %dma_wait3A_38 = tpu.memref_slice %arg8[%dma_wait3A, %dma_wait3A_37] : memref<256x128xf32, #tpu.memory_space<vmem>> -> memref<128x128xf32, #tpu.memory_space<vmem>>
      %dma_wait3A_39 = arith.constant 0 : i32
      %dma_wait3A_40 = tpu.memref_slice %arg9[%add3A_11, %dma_wait3A_39] : memref<10240x128xf32, #tpu.memory_space<vmem_shared>> -> memref<128x128xf32, #tpu.memory_space<vmem_shared>>
      %dma_wait3A_41 = arith.constant 0 : i32
      %dma_wait3A_42 = tpu.memref_slice %arg9[%add3A_11, %dma_wait3A_41] : memref<10240x128xf32, #tpu.memory_space<vmem_shared>> -> memref<128x128xf32, #tpu.memory_space<vmem_shared>>
      %dma_wait3A_43 = arith.constant 0 : i32
      %dma_wait3A_44 = arith.constant 0 : i32
      %dma_wait3A_45 = tpu.memref_slice %arg8[%dma_wait3A_43, %dma_wait3A_44] : memref<256x128xf32, #tpu.memory_space<vmem>> -> memref<128x128xf32, #tpu.memory_space<vmem>>
      tpu.wait_dma2 semaphore(%run_scoped3A : memref<!tpu.dma_semaphore, #tpu.memory_space<semaphore_mem>>) src(%dma_wait3A_45 : memref<128x128xf32, #tpu.memory_space<vmem>>) dst(%dma_wait3A_42 : memref<128x128xf32, #tpu.memory_space<vmem_shared>>)
      tpu.yield
    }) : () -> ()
    %add3A_12 = arith.constant 128 : i32
    %add3A_13 = arith.addi %mul3A_2, %add3A_12 : i32
    "tpu.region"() ({
      %run_scoped3A = tpu.sem_alloc : memref<!tpu.dma_semaphore, #tpu.memory_space<semaphore_mem>>
      %dma_start3A = arith.constant 0 : i32
      %dma_start3A_28 = arith.constant 0 : i32
      %dma_start3A_29 = tpu.memref_slice %arg8[%dma_start3A, %dma_start3A_28] : memref<256x128xf32, #tpu.memory_space<vmem>> -> memref<128x128xf32, #tpu.memory_space<vmem>>
      %dma_start3A_30 = arith.constant 0 : i32
      %dma_start3A_31 = tpu.memref_slice %arg9[%add3A_13, %dma_start3A_30] : memref<10240x128xf32, #tpu.memory_space<vmem_shared>> -> memref<128x128xf32, #tpu.memory_space<vmem_shared>>
      %dma_start3A_32 = arith.constant 0 : i32
      %dma_start3A_33 = tpu.memref_slice %arg9[%add3A_13, %dma_start3A_32] : memref<10240x128xf32, #tpu.memory_space<vmem_shared>> -> memref<128x128xf32, #tpu.memory_space<vmem_shared>>
      %dma_start3A_34 = arith.constant 0 : i32
      %dma_start3A_35 = arith.constant 0 : i32
      %dma_start3A_36 = tpu.memref_slice %arg8[%dma_start3A_34, %dma_start3A_35] : memref<256x128xf32, #tpu.memory_space<vmem>> -> memref<128x128xf32, #tpu.memory_space<vmem>>
      tpu.enqueue_dma source(%dma_start3A_36 : memref<128x128xf32, #tpu.memory_space<vmem>>) target(%dma_start3A_33 : memref<128x128xf32, #tpu.memory_space<vmem_shared>>) target_semaphore(%run_scoped3A : memref<!tpu.dma_semaphore, #tpu.memory_space<semaphore_mem>>)
      %dma_wait3A = arith.constant 0 : i32
      %dma_wait3A_37 = arith.constant 0 : i32
      %dma_wait3A_38 = tpu.memref_slice %arg8[%dma_wait3A, %dma_wait3A_37] : memref<256x128xf32, #tpu.memory_space<vmem>> -> memref<128x128xf32, #tpu.memory_space<vmem>>
      %dma_wait3A_39 = arith.constant 0 : i32
      %dma_wait3A_40 = tpu.memref_slice %arg9[%add3A_13, %dma_wait3A_39] : memref<10240x128xf32, #tpu.memory_space<vmem_shared>> -> memref<128x128xf32, #tpu.memory_space<vmem_shared>>
      %dma_wait3A_41 = arith.constant 0 : i32
      %dma_wait3A_42 = tpu.memref_slice %arg9[%add3A_13, %dma_wait3A_41] : memref<10240x128xf32, #tpu.memory_space<vmem_shared>> -> memref<128x128xf32, #tpu.memory_space<vmem_shared>>
      %dma_wait3A_43 = arith.constant 0 : i32
      %dma_wait3A_44 = arith.constant 0 : i32
      %dma_wait3A_45 = tpu.memref_slice %arg8[%dma_wait3A_43, %dma_wait3A_44] : memref<256x128xf32, #tpu.memory_space<vmem>> -> memref<128x128xf32, #tpu.memory_space<vmem>>
      tpu.wait_dma2 semaphore(%run_scoped3A : memref<!tpu.dma_semaphore, #tpu.memory_space<semaphore_mem>>) src(%dma_wait3A_45 : memref<128x128xf32, #tpu.memory_space<vmem>>) dst(%dma_wait3A_42 : memref<128x128xf32, #tpu.memory_space<vmem_shared>>)
      tpu.yield
    }) : () -> ()
    %add3A_14 = arith.constant 256 : i32
    %add3A_15 = arith.addi %mul3A_2, %add3A_14 : i32
    "tpu.region"() ({
      %run_scoped3A = tpu.sem_alloc : memref<!tpu.dma_semaphore, #tpu.memory_space<semaphore_mem>>
      %dma_start3A = arith.constant 0 : i32
      %dma_start3A_28 = arith.constant 0 : i32
      %dma_start3A_29 = tpu.memref_slice %arg8[%dma_start3A, %dma_start3A_28] : memref<256x128xf32, #tpu.memory_space<vmem>> -> memref<128x128xf32, #tpu.memory_space<vmem>>
      %dma_start3A_30 = arith.constant 0 : i32
      %dma_start3A_31 = tpu.memref_slice %arg9[%add3A_15, %dma_start3A_30] : memref<10240x128xf32, #tpu.memory_space<vmem_shared>> -> memref<128x128xf32, #tpu.memory_space<vmem_shared>>
      %dma_start3A_32 = arith.constant 0 : i32
      %dma_start3A_33 = tpu.memref_slice %arg9[%add3A_15, %dma_start3A_32] : memref<10240x128xf32, #tpu.memory_space<vmem_shared>> -> memref<128x128xf32, #tpu.memory_space<vmem_shared>>
      %dma_start3A_34 = arith.constant 0 : i32
      %dma_start3A_35 = arith.constant 0 : i32
      %dma_start3A_36 = tpu.memref_slice %arg8[%dma_start3A_34, %dma_start3A_35] : memref<256x128xf32, #tpu.memory_space<vmem>> -> memref<128x128xf32, #tpu.memory_space<vmem>>
      tpu.enqueue_dma source(%dma_start3A_36 : memref<128x128xf32, #tpu.memory_space<vmem>>) target(%dma_start3A_33 : memref<128x128xf32, #tpu.memory_space<vmem_shared>>) target_semaphore(%run_scoped3A : memref<!tpu.dma_semaphore, #tpu.memory_space<semaphore_mem>>)
      %dma_wait3A = arith.constant 0 : i32
      %dma_wait3A_37 = arith.constant 0 : i32
      %dma_wait3A_38 = tpu.memref_slice %arg8[%dma_wait3A, %dma_wait3A_37] : memref<256x128xf32, #tpu.memory_space<vmem>> -> memref<128x128xf32, #tpu.memory_space<vmem>>
      %dma_wait3A_39 = arith.constant 0 : i32
      %dma_wait3A_40 = tpu.memref_slice %arg9[%add3A_15, %dma_wait3A_39] : memref<10240x128xf32, #tpu.memory_space<vmem_shared>> -> memref<128x128xf32, #tpu.memory_space<vmem_shared>>
      %dma_wait3A_41 = arith.constant 0 : i32
      %dma_wait3A_42 = tpu.memref_slice %arg9[%add3A_15, %dma_wait3A_41] : memref<10240x128xf32, #tpu.memory_space<vmem_shared>> -> memref<128x128xf32, #tpu.memory_space<vmem_shared>>
      %dma_wait3A_43 = arith.constant 0 : i32
      %dma_wait3A_44 = arith.constant 0 : i32
      %dma_wait3A_45 = tpu.memref_slice %arg8[%dma_wait3A_43, %dma_wait3A_44] : memref<256x128xf32, #tpu.memory_space<vmem>> -> memref<128x128xf32, #tpu.memory_space<vmem>>
      tpu.wait_dma2 semaphore(%run_scoped3A : memref<!tpu.dma_semaphore, #tpu.memory_space<semaphore_mem>>) src(%dma_wait3A_45 : memref<128x128xf32, #tpu.memory_space<vmem>>) dst(%dma_wait3A_42 : memref<128x128xf32, #tpu.memory_space<vmem_shared>>)
      tpu.yield
    }) : () -> ()
    %add3A_16 = arith.constant 384 : i32
    %add3A_17 = arith.addi %mul3A_2, %add3A_16 : i32
    "tpu.region"() ({
      %run_scoped3A = tpu.sem_alloc : memref<!tpu.dma_semaphore, #tpu.memory_space<semaphore_mem>>
      %dma_start3A = arith.constant 0 : i32
      %dma_start3A_28 = arith.constant 0 : i32
      %dma_start3A_29 = tpu.memref_slice %arg8[%dma_start3A, %dma_start3A_28] : memref<256x128xf32, #tpu.memory_space<vmem>> -> memref<128x128xf32, #tpu.memory_space<vmem>>
      %dma_start3A_30 = arith.constant 0 : i32
      %dma_start3A_31 = tpu.memref_slice %arg9[%add3A_17, %dma_start3A_30] : memref<10240x128xf32, #tpu.memory_space<vmem_shared>> -> memref<128x128xf32, #tpu.memory_space<vmem_shared>>
      %dma_start3A_32 = arith.constant 0 : i32
      %dma_start3A_33 = tpu.memref_slice %arg9[%add3A_17, %dma_start3A_32] : memref<10240x128xf32, #tpu.memory_space<vmem_shared>> -> memref<128x128xf32, #tpu.memory_space<vmem_shared>>
      %dma_start3A_34 = arith.constant 0 : i32
      %dma_start3A_35 = arith.constant 0 : i32
      %dma_start3A_36 = tpu.memref_slice %arg8[%dma_start3A_34, %dma_start3A_35] : memref<256x128xf32, #tpu.memory_space<vmem>> -> memref<128x128xf32, #tpu.memory_space<vmem>>
      tpu.enqueue_dma source(%dma_start3A_36 : memref<128x128xf32, #tpu.memory_space<vmem>>) target(%dma_start3A_33 : memref<128x128xf32, #tpu.memory_space<vmem_shared>>) target_semaphore(%run_scoped3A : memref<!tpu.dma_semaphore, #tpu.memory_space<semaphore_mem>>)
      %dma_wait3A = arith.constant 0 : i32
      %dma_wait3A_37 = arith.constant 0 : i32
      %dma_wait3A_38 = tpu.memref_slice %arg8[%dma_wait3A, %dma_wait3A_37] : memref<256x128xf32, #tpu.memory_space<vmem>> -> memref<128x128xf32, #tpu.memory_space<vmem>>
      %dma_wait3A_39 = arith.constant 0 : i32
      %dma_wait3A_40 = tpu.memref_slice %arg9[%add3A_17, %dma_wait3A_39] : memref<10240x128xf32, #tpu.memory_space<vmem_shared>> -> memref<128x128xf32, #tpu.memory_space<vmem_shared>>
      %dma_wait3A_41 = arith.constant 0 : i32
      %dma_wait3A_42 = tpu.memref_slice %arg9[%add3A_17, %dma_wait3A_41] : memref<10240x128xf32, #tpu.memory_space<vmem_shared>> -> memref<128x128xf32, #tpu.memory_space<vmem_shared>>
      %dma_wait3A_43 = arith.constant 0 : i32
      %dma_wait3A_44 = arith.constant 0 : i32
      %dma_wait3A_45 = tpu.memref_slice %arg8[%dma_wait3A_43, %dma_wait3A_44] : memref<256x128xf32, #tpu.memory_space<vmem>> -> memref<128x128xf32, #tpu.memory_space<vmem>>
      tpu.wait_dma2 semaphore(%run_scoped3A : memref<!tpu.dma_semaphore, #tpu.memory_space<semaphore_mem>>) src(%dma_wait3A_45 : memref<128x128xf32, #tpu.memory_space<vmem>>) dst(%dma_wait3A_42 : memref<128x128xf32, #tpu.memory_space<vmem_shared>>)
      tpu.yield
    }) : () -> ()
    %add3A_18 = arith.constant 512 : i32
    %add3A_19 = arith.addi %mul3A_2, %add3A_18 : i32
    "tpu.region"() ({
      %run_scoped3A = tpu.sem_alloc : memref<!tpu.dma_semaphore, #tpu.memory_space<semaphore_mem>>
      %dma_start3A = arith.constant 0 : i32
      %dma_start3A_28 = arith.constant 0 : i32
      %dma_start3A_29 = tpu.memref_slice %arg8[%dma_start3A, %dma_start3A_28] : memref<256x128xf32, #tpu.memory_space<vmem>> -> memref<128x128xf32, #tpu.memory_space<vmem>>
      %dma_start3A_30 = arith.constant 0 : i32
      %dma_start3A_31 = tpu.memref_slice %arg9[%add3A_19, %dma_start3A_30] : memref<10240x128xf32, #tpu.memory_space<vmem_shared>> -> memref<128x128xf32, #tpu.memory_space<vmem_shared>>
      %dma_start3A_32 = arith.constant 0 : i32
      %dma_start3A_33 = tpu.memref_slice %arg9[%add3A_19, %dma_start3A_32] : memref<10240x128xf32, #tpu.memory_space<vmem_shared>> -> memref<128x128xf32, #tpu.memory_space<vmem_shared>>
      %dma_start3A_34 = arith.constant 0 : i32
      %dma_start3A_35 = arith.constant 0 : i32
      %dma_start3A_36 = tpu.memref_slice %arg8[%dma_start3A_34, %dma_start3A_35] : memref<256x128xf32, #tpu.memory_space<vmem>> -> memref<128x128xf32, #tpu.memory_space<vmem>>
      tpu.enqueue_dma source(%dma_start3A_36 : memref<128x128xf32, #tpu.memory_space<vmem>>) target(%dma_start3A_33 : memref<128x128xf32, #tpu.memory_space<vmem_shared>>) target_semaphore(%run_scoped3A : memref<!tpu.dma_semaphore, #tpu.memory_space<semaphore_mem>>)
      %dma_wait3A = arith.constant 0 : i32
      %dma_wait3A_37 = arith.constant 0 : i32
      %dma_wait3A_38 = tpu.memref_slice %arg8[%dma_wait3A, %dma_wait3A_37] : memref<256x128xf32, #tpu.memory_space<vmem>> -> memref<128x128xf32, #tpu.memory_space<vmem>>
      %dma_wait3A_39 = arith.constant 0 : i32
      %dma_wait3A_40 = tpu.memref_slice %arg9[%add3A_19, %dma_wait3A_39] : memref<10240x128xf32, #tpu.memory_space<vmem_shared>> -> memref<128x128xf32, #tpu.memory_space<vmem_shared>>
      %dma_wait3A_41 = arith.constant 0 : i32
      %dma_wait3A_42 = tpu.memref_slice %arg9[%add3A_19, %dma_wait3A_41] : memref<10240x128xf32, #tpu.memory_space<vmem_shared>> -> memref<128x128xf32, #tpu.memory_space<vmem_shared>>
      %dma_wait3A_43 = arith.constant 0 : i32
      %dma_wait3A_44 = arith.constant 0 : i32
      %dma_wait3A_45 = tpu.memref_slice %arg8[%dma_wait3A_43, %dma_wait3A_44] : memref<256x128xf32, #tpu.memory_space<vmem>> -> memref<128x128xf32, #tpu.memory_space<vmem>>
      tpu.wait_dma2 semaphore(%run_scoped3A : memref<!tpu.dma_semaphore, #tpu.memory_space<semaphore_mem>>) src(%dma_wait3A_45 : memref<128x128xf32, #tpu.memory_space<vmem>>) dst(%dma_wait3A_42 : memref<128x128xf32, #tpu.memory_space<vmem_shared>>)
      tpu.yield
    }) : () -> ()
    %barrier3A = arith.constant 0 : index
    tpu.barrier barrier_id(%barrier3A)
    %scan3A_20 = arith.constant 0 : i32
    %scan3A_21 = arith.constant 0 : i32
    %scan3A_22 = arith.constant 2 : i32
    %scan3A_23 = arith.addi %scan3A_21, %scan3A_22 : i32
    %scan3A_24 = arith.constant 1 : i32
    %scan3A_25 = scf.for %scan3A_28 = %scan3A_21 to %scan3A_23 step %scan3A_24 iter_args(%scan3A_29 = %scan3A_20) -> (i32)  : i32 {
      %mul3A_30 = arith.constant 2 : i32
      %mul3A_31 = arith.muli %add3A, %mul3A_30 : i32
      %add3A_32 = arith.addi %mul3A_31, %scan3A_28 : i32
      %mul3A_33 = arith.constant 40 : i32
      %mul3A_34 = arith.muli %add3A_32, %mul3A_33 : i32
      "tpu.region"() ({
        %run_scoped3A = tpu.sem_alloc : memref<!tpu.dma_semaphore, #tpu.memory_space<semaphore_mem>>
        %dma_start3A = arith.constant 0 : i32
        %dma_start3A_45 = tpu.memref_slice %arg4[%mul3A_34, %dma_start3A] : memref<2560x128xi32, #tpu.memory_space<hbm>> -> memref<40x128xi32, #tpu.memory_space<hbm>>
        %dma_start3A_46 = arith.constant 0 : i32
        %dma_start3A_47 = tpu.memref_slice %arg4[%mul3A_34, %dma_start3A_46] : memref<2560x128xi32, #tpu.memory_space<hbm>> -> memref<40x128xi32, #tpu.memory_space<hbm>>
        tpu.enqueue_dma source(%dma_start3A_47 : memref<40x128xi32, #tpu.memory_space<hbm>>) target(%arg7 : memref<40x128xi32, #tpu.memory_space<vmem>>) target_semaphore(%run_scoped3A : memref<!tpu.dma_semaphore, #tpu.memory_space<semaphore_mem>>)
        %dma_wait3A = arith.constant 0 : i32
        %dma_wait3A_48 = tpu.memref_slice %arg4[%mul3A_34, %dma_wait3A] : memref<2560x128xi32, #tpu.memory_space<hbm>> -> memref<40x128xi32, #tpu.memory_space<hbm>>
        %dma_wait3A_49 = arith.constant 0 : i32
        %dma_wait3A_50 = tpu.memref_slice %arg4[%mul3A_34, %dma_wait3A_49] : memref<2560x128xi32, #tpu.memory_space<hbm>> -> memref<40x128xi32, #tpu.memory_space<hbm>>
        tpu.wait_dma2 semaphore(%run_scoped3A : memref<!tpu.dma_semaphore, #tpu.memory_space<semaphore_mem>>) src(%dma_wait3A_50 : memref<40x128xi32, #tpu.memory_space<hbm>>) dst(%arg7 : memref<40x128xi32, #tpu.memory_space<vmem>>)
        tpu.yield
      }) : () -> ()
      %mul3A_35 = arith.constant 128 : i32
      %mul3A_36 = arith.muli %mul3A_34, %mul3A_35 : i32
      "tpu.region"() ({
        %run_scoped3A = tpu.sem_alloc : memref<!tpu.dma_semaphore, #tpu.memory_space<semaphore_mem>>
        %dma_start3A = tpu.memref_slice %arg3[%mul3A_36] : memref<327680xi32, #tpu.memory_space<hbm>> -> memref<5120xi32, #tpu.memory_space<hbm>>
        %dma_start3A_45 = tpu.memref_slice %arg3[%mul3A_36] : memref<327680xi32, #tpu.memory_space<hbm>> -> memref<5120xi32, #tpu.memory_space<hbm>>
        tpu.enqueue_dma source(%dma_start3A_45 : memref<5120xi32, #tpu.memory_space<hbm>>) target(%arg6 : memref<5120xi32, #tpu.memory_space<vmem>>) target_semaphore(%run_scoped3A : memref<!tpu.dma_semaphore, #tpu.memory_space<semaphore_mem>>)
        %dma_wait3A = tpu.memref_slice %arg3[%mul3A_36] : memref<327680xi32, #tpu.memory_space<hbm>> -> memref<5120xi32, #tpu.memory_space<hbm>>
        %dma_wait3A_46 = tpu.memref_slice %arg3[%mul3A_36] : memref<327680xi32, #tpu.memory_space<hbm>> -> memref<5120xi32, #tpu.memory_space<hbm>>
        tpu.wait_dma2 semaphore(%run_scoped3A : memref<!tpu.dma_semaphore, #tpu.memory_space<semaphore_mem>>) src(%dma_wait3A_46 : memref<5120xi32, #tpu.memory_space<hbm>>) dst(%arg6 : memref<5120xi32, #tpu.memory_space<vmem>>)
        tpu.yield
      }) : () -> ()
      %scan3A_37 = arith.constant 0 : i32
      %scan3A_38 = arith.constant 0 : i32
      %scan3A_39 = arith.constant 20 : i32
      %scan3A_40 = arith.addi %scan3A_38, %scan3A_39 : i32
      %scan3A_41 = arith.constant 1 : i32
      %scan3A_42 = scf.for %scan3A_45 = %scan3A_38 to %scan3A_40 step %scan3A_41 iter_args(%scan3A_46 = %scan3A_37) -> (i32)  : i32 {
        %mul3A_47 = arith.constant 256 : i32
        %mul3A_48 = arith.muli %scan3A_45, %mul3A_47 : i32
        %dma_start3A = tpu.memref_slice %arg6[%mul3A_48] : memref<5120xi32, #tpu.memory_space<vmem>> -> memref<256xi32, #tpu.memory_space<vmem>>
        %dma_start3A_49 = arith.constant 0 : i32
        %dma_start3A_50 = arith.constant 0 : i32
        %dma_start3A_51 = tpu.memref_slice %arg2[%dma_start3A_49, %dma_start3A_50] : memref<10000x128xf32, #tpu.memory_space<hbm>> -> memref<10000x128xf32, #tpu.memory_space<hbm>>
        tpu.enqueue_indirect_dma source(%dma_start3A_51 : memref<10000x128xf32, #tpu.memory_space<hbm>>) target(%arg8 : memref<256x128xf32, #tpu.memory_space<vmem>>) offsets(%dma_start3A : memref<256xi32, #tpu.memory_space<vmem>>) semaphore(%arg10 : memref<!tpu.dma_semaphore, #tpu.memory_space<semaphore_mem>>)
        %dma_wait3A = tpu.memref_slice %arg6[%mul3A_48] : memref<5120xi32, #tpu.memory_space<vmem>> -> memref<256xi32, #tpu.memory_space<vmem>>
        %dma_wait3A_52 = arith.constant 0 : i32
        %dma_wait3A_53 = arith.constant 0 : i32
        %dma_wait3A_54 = tpu.memref_slice %arg2[%dma_wait3A_52, %dma_wait3A_53] : memref<10000x128xf32, #tpu.memory_space<hbm>> -> memref<10000x128xf32, #tpu.memory_space<hbm>>
        tpu.wait_indirect_dma semaphore(%arg10 : memref<!tpu.dma_semaphore, #tpu.memory_space<semaphore_mem>>) src(%dma_wait3A_54 : memref<10000x128xf32, #tpu.memory_space<hbm>>) dst(%arg8 : memref<256x128xf32, #tpu.memory_space<vmem>>)
        %mul3A_55 = arith.constant 2 : i32
        %mul3A_56 = arith.muli %mul3A_55, %scan3A_45 : i32
        "tpu.region"() ({
          %run_scoped3A = tpu.sem_alloc : memref<!tpu.dma_semaphore, #tpu.memory_space<semaphore_mem>>
          %dma_start3A_62 = arith.constant 0 : i32
          %dma_start3A_63 = arith.constant 0 : i32
          %dma_start3A_64 = tpu.memref_slice %arg8[%dma_start3A_62, %dma_start3A_63] : memref<256x128xf32, #tpu.memory_space<vmem>> -> memref<128x128xf32, #tpu.memory_space<vmem>>
          %dma_start3A_65 = arith.constant 0 : i32
          %dma_start3A_66 = tpu.memref_slice %arg7[%mul3A_56, %dma_start3A_65] : memref<40x128xi32, #tpu.memory_space<vmem>> -> memref<1x128xi32, #tpu.memory_space<vmem>>
          %dma_start3A_67 = tpu.memref_squeeze %dma_start3A_66 : memref<1x128xi32, #tpu.memory_space<vmem>> -> memref<128xi32, #tpu.memory_space<vmem>>
          %dma_start3A_68 = arith.constant 0 : i32
          %dma_start3A_69 = arith.constant 0 : i32
          %dma_start3A_70 = tpu.memref_slice %arg9[%dma_start3A_68, %dma_start3A_69] : memref<10240x128xf32, #tpu.memory_space<vmem_shared>> -> memref<10240x128xf32, #tpu.memory_space<vmem_shared>>
          tpu.enqueue_indirect_dma source(%dma_start3A_64 : memref<128x128xf32, #tpu.memory_space<vmem>>) target(%dma_start3A_70 : memref<10240x128xf32, #tpu.memory_space<vmem_shared>>) offsets(%dma_start3A_67 : memref<128xi32, #tpu.memory_space<vmem>>) semaphore(%run_scoped3A : memref<!tpu.dma_semaphore, #tpu.memory_space<semaphore_mem>>) {add = true}
          %dma_wait3A_71 = arith.constant 0 : i32
          %dma_wait3A_72 = arith.constant 0 : i32
          %dma_wait3A_73 = tpu.memref_slice %arg8[%dma_wait3A_71, %dma_wait3A_72] : memref<256x128xf32, #tpu.memory_space<vmem>> -> memref<128x128xf32, #tpu.memory_space<vmem>>
          %dma_wait3A_74 = arith.constant 0 : i32
          %dma_wait3A_75 = tpu.memref_slice %arg7[%mul3A_56, %dma_wait3A_74] : memref<40x128xi32, #tpu.memory_space<vmem>> -> memref<1x128xi32, #tpu.memory_space<vmem>>
          %dma_wait3A_76 = tpu.memref_squeeze %dma_wait3A_75 : memref<1x128xi32, #tpu.memory_space<vmem>> -> memref<128xi32, #tpu.memory_space<vmem>>
          %dma_wait3A_77 = arith.constant 0 : i32
          %dma_wait3A_78 = arith.constant 0 : i32
          %dma_wait3A_79 = tpu.memref_slice %arg9[%dma_wait3A_77, %dma_wait3A_78] : memref<10240x128xf32, #tpu.memory_space<vmem_shared>> -> memref<10240x128xf32, #tpu.memory_space<vmem_shared>>
          tpu.wait_indirect_dma semaphore(%run_scoped3A : memref<!tpu.dma_semaphore, #tpu.memory_space<semaphore_mem>>) src(%dma_wait3A_73 : memref<128x128xf32, #tpu.memory_space<vmem>>) dst(%dma_wait3A_79 : memref<10240x128xf32, #tpu.memory_space<vmem_shared>>)
          tpu.yield
        }) : () -> ()
        %mul3A_57 = arith.constant 2 : i32
        %mul3A_58 = arith.muli %mul3A_57, %scan3A_45 : i32
        %add3A_59 = arith.constant 1 : i32
        %add3A_60 = arith.addi %mul3A_58, %add3A_59 : i32
        "tpu.region"() ({
          %run_scoped3A = tpu.sem_alloc : memref<!tpu.dma_semaphore, #tpu.memory_space<semaphore_mem>>
          %dma_start3A_62 = arith.constant 128 : i32
          %dma_start3A_63 = arith.constant 0 : i32
          %dma_start3A_64 = tpu.memref_slice %arg8[%dma_start3A_62, %dma_start3A_63] : memref<256x128xf32, #tpu.memory_space<vmem>> -> memref<128x128xf32, #tpu.memory_space<vmem>>
          %dma_start3A_65 = arith.constant 0 : i32
          %dma_start3A_66 = tpu.memref_slice %arg7[%add3A_60, %dma_start3A_65] : memref<40x128xi32, #tpu.memory_space<vmem>> -> memref<1x128xi32, #tpu.memory_space<vmem>>
          %dma_start3A_67 = tpu.memref_squeeze %dma_start3A_66 : memref<1x128xi32, #tpu.memory_space<vmem>> -> memref<128xi32, #tpu.memory_space<vmem>>
          %dma_start3A_68 = arith.constant 0 : i32
          %dma_start3A_69 = arith.constant 0 : i32
          %dma_start3A_70 = tpu.memref_slice %arg9[%dma_start3A_68, %dma_start3A_69] : memref<10240x128xf32, #tpu.memory_space<vmem_shared>> -> memref<10240x128xf32, #tpu.memory_space<vmem_shared>>
          tpu.enqueue_indirect_dma source(%dma_start3A_64 : memref<128x128xf32, #tpu.memory_space<vmem>>) target(%dma_start3A_70 : memref<10240x128xf32, #tpu.memory_space<vmem_shared>>) offsets(%dma_start3A_67 : memref<128xi32, #tpu.memory_space<vmem>>) semaphore(%run_scoped3A : memref<!tpu.dma_semaphore, #tpu.memory_space<semaphore_mem>>) {add = true}
          %dma_wait3A_71 = arith.constant 128 : i32
          %dma_wait3A_72 = arith.constant 0 : i32
          %dma_wait3A_73 = tpu.memref_slice %arg8[%dma_wait3A_71, %dma_wait3A_72] : memref<256x128xf32, #tpu.memory_space<vmem>> -> memref<128x128xf32, #tpu.memory_space<vmem>>
          %dma_wait3A_74 = arith.constant 0 : i32
          %dma_wait3A_75 = tpu.memref_slice %arg7[%add3A_60, %dma_wait3A_74] : memref<40x128xi32, #tpu.memory_space<vmem>> -> memref<1x128xi32, #tpu.memory_space<vmem>>
          %dma_wait3A_76 = tpu.memref_squeeze %dma_wait3A_75 : memref<1x128xi32, #tpu.memory_space<vmem>> -> memref<128xi32, #tpu.memory_space<vmem>>
          %dma_wait3A_77 = arith.constant 0 : i32
          %dma_wait3A_78 = arith.constant 0 : i32
          %dma_wait3A_79 = tpu.memref_slice %arg9[%dma_wait3A_77, %dma_wait3A_78] : memref<10240x128xf32, #tpu.memory_space<vmem_shared>> -> memref<10240x128xf32, #tpu.memory_space<vmem_shared>>
          tpu.wait_indirect_dma semaphore(%run_scoped3A : memref<!tpu.dma_semaphore, #tpu.memory_space<semaphore_mem>>) src(%dma_wait3A_73 : memref<128x128xf32, #tpu.memory_space<vmem>>) dst(%dma_wait3A_79 : memref<10240x128xf32, #tpu.memory_space<vmem_shared>>)
          tpu.yield
        }) : () -> ()
        %scan3A_61 = arith.constant 0 : i32
        scf.yield %scan3A_61 : i32
      }
      %scan3A_43 = arith.constant 20 : i32
      %scan3A_44 = arith.constant 0 : i32
      scf.yield %scan3A_44 : i32
    }
    %scan3A_26 = arith.constant 2 : i32
    %barrier3A_27 = arith.constant 0 : index
    tpu.barrier barrier_id(%barrier3A_27)
    "tpu.region"() ({
      %run_scoped3A = tpu.sem_alloc : memref<!tpu.dma_semaphore, #tpu.memory_space<semaphore_mem>>
      %dma_start3A = arith.constant 0 : i32
      %dma_start3A_28 = tpu.memref_slice %arg5[%arg0, %mul3A_2, %dma_start3A] : memref<2x10240x128xf32, #tpu.memory_space<hbm>> -> memref<1x640x128xf32, #tpu.memory_space<hbm>>
      %dma_start3A_29 = tpu.memref_squeeze %dma_start3A_28 : memref<1x640x128xf32, #tpu.memory_space<hbm>> -> memref<640x128xf32, #tpu.memory_space<hbm>>
      %dma_start3A_30 = arith.constant 0 : i32
      %dma_start3A_31 = tpu.memref_slice %arg9[%mul3A_2, %dma_start3A_30] : memref<10240x128xf32, #tpu.memory_space<vmem_shared>> -> memref<640x128xf32, #tpu.memory_space<vmem_shared>>
      tpu.enqueue_dma source(%dma_start3A_31 : memref<640x128xf32, #tpu.memory_space<vmem_shared>>) target(%dma_start3A_29 : memref<640x128xf32, #tpu.memory_space<hbm>>) target_semaphore(%run_scoped3A : memref<!tpu.dma_semaphore, #tpu.memory_space<semaphore_mem>>)
      %dma_wait3A = arith.constant 0 : i32
      %dma_wait3A_32 = tpu.memref_slice %arg5[%arg0, %mul3A_2, %dma_wait3A] : memref<2x10240x128xf32, #tpu.memory_space<hbm>> -> memref<1x640x128xf32, #tpu.memory_space<hbm>>
      %dma_wait3A_33 = tpu.memref_squeeze %dma_wait3A_32 : memref<1x640x128xf32, #tpu.memory_space<hbm>> -> memref<640x128xf32, #tpu.memory_space<hbm>>
      %dma_wait3A_34 = arith.constant 0 : i32
      %dma_wait3A_35 = tpu.memref_slice %arg9[%mul3A_2, %dma_wait3A_34] : memref<10240x128xf32, #tpu.memory_space<vmem_shared>> -> memref<640x128xf32, #tpu.memory_space<vmem_shared>>
      tpu.wait_dma2 semaphore(%run_scoped3A : memref<!tpu.dma_semaphore, #tpu.memory_space<semaphore_mem>>) src(%dma_wait3A_35 : memref<640x128xf32, #tpu.memory_space<vmem_shared>>) dst(%dma_wait3A_33 : memref<640x128xf32, #tpu.memory_space<hbm>>)
      tpu.yield
    }) : () -> ()
    return
  }
}

#map = affine_map<(d0, d1) -> (0, 0)>
module attributes {stable_mosaic.version = 14 : i64} {
  func.func @_deg_body(%arg0: i32, %arg1: i32, %arg2: memref<2560x128xi32, #tpu.memory_space<hbm>>, %arg3: memref<2x10240xf32, #tpu.memory_space<hbm>>, %arg4: memref<80x128xi32, #tpu.memory_space<vmem>>, %arg5: memref<128xf32, #tpu.memory_space<vmem>>, %arg6: memref<640xf32, #tpu.memory_space<vmem>>, %arg7: memref<10240xf32, #tpu.memory_space<vmem_shared>>) attributes {dimension_semantics = [#tpu.dimension_semantics<core_parallel>, #tpu.dimension_semantics<subcore_parallel>], iteration_bounds = array<i64: 2, 16>, scalar_prefetch = 0 : i64, scratch_operands = 4 : i64, tpu.core_type = #tpu.core_type<sc_vector_subcore>, window_params = [{transform_indices = #map}, {transform_indices = #map}]} {
    %mul3A = arith.constant 16 : i32
    %mul3A_0 = arith.muli %arg0, %mul3A : i32
    %add3A = arith.addi %mul3A_0, %arg1 : i32
    %broadcast_in_dim3A = arith.constant 1.000000e+00 : f32
    %broadcast_in_dim3A_1 = vector.broadcast %broadcast_in_dim3A : f32 to vector<16xf32>
    %broadcast_in_dim3A_2 = arith.constant 0.000000e+00 : f32
    %broadcast_in_dim3A_3 = vector.broadcast %broadcast_in_dim3A_2 : f32 to vector<16xf32>
    %scan3A = arith.constant 0 : i32
    %scan3A_4 = arith.constant 0 : i32
    %scan3A_5 = arith.constant 8 : i32
    %scan3A_6 = arith.addi %scan3A_4, %scan3A_5 : i32
    %scan3A_7 = arith.constant 1 : i32
    %scan3A_8 = scf.for %scan3A_29 = %scan3A_4 to %scan3A_6 step %scan3A_7 iter_args(%scan3A_30 = %scan3A) -> (i32)  : i32 {
      %mul3A_31 = arith.constant 16 : i32
      %mul3A_32 = arith.muli %scan3A_29, %mul3A_31 : i32
      %swap3A = arith.index_cast %mul3A_32 : i32 to index
      %swap3A_33 = tpu.vector_load %arg5[%swap3A] {strides = array<i32>} : memref<128xf32, #tpu.memory_space<vmem>>, vector<16xf32>,
      %swap3A_34 = vector.shape_cast %swap3A_33 : vector<16xf32> to vector<16xf32>
      %swap3A_35 = vector.shape_cast %broadcast_in_dim3A_1 : vector<16xf32> to vector<16xf32>
      tpu.vector_store %arg5[%swap3A], %swap3A_35 {strides = array<i32>} : memref<128xf32, #tpu.memory_space<vmem>>, vector<16xf32>,
      %scan3A_36 = arith.constant 0 : i32
      scf.yield %scan3A_36 : i32
    }
    %scan3A_9 = arith.constant 8 : i32
    %scan3A_10 = arith.constant 0 : i32
    %scan3A_11 = arith.constant 0 : i32
    %scan3A_12 = arith.constant 40 : i32
    %scan3A_13 = arith.addi %scan3A_11, %scan3A_12 : i32
    %scan3A_14 = arith.constant 1 : i32
    %scan3A_15 = scf.for %scan3A_29 = %scan3A_11 to %scan3A_13 step %scan3A_14 iter_args(%scan3A_30 = %scan3A_10) -> (i32)  : i32 {
      %mul3A_31 = arith.constant 16 : i32
      %mul3A_32 = arith.muli %scan3A_29, %mul3A_31 : i32
      %swap3A = arith.index_cast %mul3A_32 : i32 to index
      %swap3A_33 = tpu.vector_load %arg6[%swap3A] {strides = array<i32>} : memref<640xf32, #tpu.memory_space<vmem>>, vector<16xf32>,
      %swap3A_34 = vector.shape_cast %swap3A_33 : vector<16xf32> to vector<16xf32>
      %swap3A_35 = vector.shape_cast %broadcast_in_dim3A_3 : vector<16xf32> to vector<16xf32>
      tpu.vector_store %arg6[%swap3A], %swap3A_35 {strides = array<i32>} : memref<640xf32, #tpu.memory_space<vmem>>, vector<16xf32>,
      %scan3A_36 = arith.constant 0 : i32
      scf.yield %scan3A_36 : i32
    }
    %scan3A_16 = arith.constant 40 : i32
    %mul3A_17 = arith.constant 640 : i32
    %mul3A_18 = arith.muli %arg1, %mul3A_17 : i32
    "tpu.region"() ({
      %run_scoped3A = tpu.sem_alloc : memref<!tpu.dma_semaphore, #tpu.memory_space<semaphore_mem>>
      %dma_start3A = tpu.memref_slice %arg7[%mul3A_18] : memref<10240xf32, #tpu.memory_space<vmem_shared>> -> memref<640xf32, #tpu.memory_space<vmem_shared>>
      %dma_start3A_29 = tpu.memref_slice %arg7[%mul3A_18] : memref<10240xf32, #tpu.memory_space<vmem_shared>> -> memref<640xf32, #tpu.memory_space<vmem_shared>>
      tpu.enqueue_dma source(%arg6 : memref<640xf32, #tpu.memory_space<vmem>>) target(%dma_start3A_29 : memref<640xf32, #tpu.memory_space<vmem_shared>>) target_semaphore(%run_scoped3A : memref<!tpu.dma_semaphore, #tpu.memory_space<semaphore_mem>>)
      %dma_wait3A = tpu.memref_slice %arg7[%mul3A_18] : memref<10240xf32, #tpu.memory_space<vmem_shared>> -> memref<640xf32, #tpu.memory_space<vmem_shared>>
      %dma_wait3A_30 = tpu.memref_slice %arg7[%mul3A_18] : memref<10240xf32, #tpu.memory_space<vmem_shared>> -> memref<640xf32, #tpu.memory_space<vmem_shared>>
      tpu.wait_dma2 semaphore(%run_scoped3A : memref<!tpu.dma_semaphore, #tpu.memory_space<semaphore_mem>>) src(%arg6 : memref<640xf32, #tpu.memory_space<vmem>>) dst(%dma_wait3A_30 : memref<640xf32, #tpu.memory_space<vmem_shared>>)
      tpu.yield
    }) : () -> ()
    %barrier3A = arith.constant 0 : index
    tpu.barrier barrier_id(%barrier3A)
    %mul3A_19 = arith.constant 80 : i32
    %mul3A_20 = arith.muli %add3A, %mul3A_19 : i32
    "tpu.region"() ({
      %run_scoped3A = tpu.sem_alloc : memref<!tpu.dma_semaphore, #tpu.memory_space<semaphore_mem>>
      %dma_start3A = arith.constant 0 : i32
      %dma_start3A_29 = tpu.memref_slice %arg2[%mul3A_20, %dma_start3A] : memref<2560x128xi32, #tpu.memory_space<hbm>> -> memref<80x128xi32, #tpu.memory_space<hbm>>
      %dma_start3A_30 = arith.constant 0 : i32
      %dma_start3A_31 = tpu.memref_slice %arg2[%mul3A_20, %dma_start3A_30] : memref<2560x128xi32, #tpu.memory_space<hbm>> -> memref<80x128xi32, #tpu.memory_space<hbm>>
      tpu.enqueue_dma source(%dma_start3A_31 : memref<80x128xi32, #tpu.memory_space<hbm>>) target(%arg4 : memref<80x128xi32, #tpu.memory_space<vmem>>) target_semaphore(%run_scoped3A : memref<!tpu.dma_semaphore, #tpu.memory_space<semaphore_mem>>)
      %dma_wait3A = arith.constant 0 : i32
      %dma_wait3A_32 = tpu.memref_slice %arg2[%mul3A_20, %dma_wait3A] : memref<2560x128xi32, #tpu.memory_space<hbm>> -> memref<80x128xi32, #tpu.memory_space<hbm>>
      %dma_wait3A_33 = arith.constant 0 : i32
      %dma_wait3A_34 = tpu.memref_slice %arg2[%mul3A_20, %dma_wait3A_33] : memref<2560x128xi32, #tpu.memory_space<hbm>> -> memref<80x128xi32, #tpu.memory_space<hbm>>
      tpu.wait_dma2 semaphore(%run_scoped3A : memref<!tpu.dma_semaphore, #tpu.memory_space<semaphore_mem>>) src(%dma_wait3A_34 : memref<80x128xi32, #tpu.memory_space<hbm>>) dst(%arg4 : memref<80x128xi32, #tpu.memory_space<vmem>>)
      tpu.yield
    }) : () -> ()
    %scan3A_21 = arith.constant 0 : i32
    %scan3A_22 = arith.constant 0 : i32
    %scan3A_23 = arith.constant 80 : i32
    %scan3A_24 = arith.addi %scan3A_22, %scan3A_23 : i32
    %scan3A_25 = arith.constant 1 : i32
    %scan3A_26 = scf.for %scan3A_29 = %scan3A_22 to %scan3A_24 step %scan3A_25 iter_args(%scan3A_30 = %scan3A_21) -> (i32)  : i32 {
      "tpu.region"() ({
        %run_scoped3A = tpu.sem_alloc : memref<!tpu.dma_semaphore, #tpu.memory_space<semaphore_mem>>
        %dma_start3A = arith.constant 0 : i32
        %dma_start3A_32 = tpu.memref_slice %arg4[%scan3A_29, %dma_start3A] : memref<80x128xi32, #tpu.memory_space<vmem>> -> memref<1x128xi32, #tpu.memory_space<vmem>>
        %dma_start3A_33 = tpu.memref_squeeze %dma_start3A_32 : memref<1x128xi32, #tpu.memory_space<vmem>> -> memref<128xi32, #tpu.memory_space<vmem>>
        %dma_start3A_34 = arith.constant 0 : i32
        %dma_start3A_35 = tpu.memref_slice %arg7[%dma_start3A_34] : memref<10240xf32, #tpu.memory_space<vmem_shared>> -> memref<10240xf32, #tpu.memory_space<vmem_shared>>
        tpu.enqueue_indirect_dma source(%arg5 : memref<128xf32, #tpu.memory_space<vmem>>) target(%dma_start3A_35 : memref<10240xf32, #tpu.memory_space<vmem_shared>>) offsets(%dma_start3A_33 : memref<128xi32, #tpu.memory_space<vmem>>) semaphore(%run_scoped3A : memref<!tpu.dma_semaphore, #tpu.memory_space<semaphore_mem>>) {add = true}
        %dma_wait3A = arith.constant 0 : i32
        %dma_wait3A_36 = tpu.memref_slice %arg4[%scan3A_29, %dma_wait3A] : memref<80x128xi32, #tpu.memory_space<vmem>> -> memref<1x128xi32, #tpu.memory_space<vmem>>
        %dma_wait3A_37 = tpu.memref_squeeze %dma_wait3A_36 : memref<1x128xi32, #tpu.memory_space<vmem>> -> memref<128xi32, #tpu.memory_space<vmem>>
        %dma_wait3A_38 = arith.constant 0 : i32
        %dma_wait3A_39 = tpu.memref_slice %arg7[%dma_wait3A_38] : memref<10240xf32, #tpu.memory_space<vmem_shared>> -> memref<10240xf32, #tpu.memory_space<vmem_shared>>
        tpu.wait_indirect_dma semaphore(%run_scoped3A : memref<!tpu.dma_semaphore, #tpu.memory_space<semaphore_mem>>) src(%arg5 : memref<128xf32, #tpu.memory_space<vmem>>) dst(%dma_wait3A_39 : memref<10240xf32, #tpu.memory_space<vmem_shared>>)
        tpu.yield
      }) : () -> ()
      %scan3A_31 = arith.constant 0 : i32
      scf.yield %scan3A_31 : i32
    }
    %scan3A_27 = arith.constant 80 : i32
    %barrier3A_28 = arith.constant 0 : index
    tpu.barrier barrier_id(%barrier3A_28)
    "tpu.region"() ({
      %run_scoped3A = tpu.sem_alloc : memref<!tpu.dma_semaphore, #tpu.memory_space<semaphore_mem>>
      %dma_start3A = tpu.memref_slice %arg3[%arg0, %mul3A_18] : memref<2x10240xf32, #tpu.memory_space<hbm>> -> memref<1x640xf32, #tpu.memory_space<hbm>>
      %dma_start3A_29 = tpu.memref_squeeze %dma_start3A : memref<1x640xf32, #tpu.memory_space<hbm>> -> memref<640xf32, #tpu.memory_space<hbm>>
      %dma_start3A_30 = tpu.memref_slice %arg7[%mul3A_18] : memref<10240xf32, #tpu.memory_space<vmem_shared>> -> memref<640xf32, #tpu.memory_space<vmem_shared>>
      tpu.enqueue_dma source(%dma_start3A_30 : memref<640xf32, #tpu.memory_space<vmem_shared>>) target(%dma_start3A_29 : memref<640xf32, #tpu.memory_space<hbm>>) target_semaphore(%run_scoped3A : memref<!tpu.dma_semaphore, #tpu.memory_space<semaphore_mem>>)
      %dma_wait3A = tpu.memref_slice %arg3[%arg0, %mul3A_18] : memref<2x10240xf32, #tpu.memory_space<hbm>> -> memref<1x640xf32, #tpu.memory_space<hbm>>
      %dma_wait3A_31 = tpu.memref_squeeze %dma_wait3A : memref<1x640xf32, #tpu.memory_space<hbm>> -> memref<640xf32, #tpu.memory_space<hbm>>
      %dma_wait3A_32 = tpu.memref_slice %arg7[%mul3A_18] : memref<10240xf32, #tpu.memory_space<vmem_shared>> -> memref<640xf32, #tpu.memory_space<vmem_shared>>
      tpu.wait_dma2 semaphore(%run_scoped3A : memref<!tpu.dma_semaphore, #tpu.memory_space<semaphore_mem>>) src(%dma_wait3A_32 : memref<640xf32, #tpu.memory_space<vmem_shared>>) dst(%dma_wait3A_31 : memref<640xf32, #tpu.memory_space<hbm>>)
      tpu.yield
    }) : () -> ()
    return
  }
}

#map = affine_map<(d0, d1) -> (0, 0)>
#map1 = affine_map<(d0, d1) -> (0)>
#map2 = affine_map<(d0, d1) -> (0, 0, 0)>
module attributes {stable_mosaic.version = 14 : i64} {
  func.func @_edge_body(%arg0: i32, %arg1: i32, %arg2: memref<10000x128xf32, #tpu.memory_space<hbm>>, %arg3: memref<327680xi32, #tpu.memory_space<hbm>>, %arg4: memref<2560x128xi32, #tpu.memory_space<hbm>>, %arg5: memref<2x10240x128xf32, #tpu.memory_space<hbm>>, %arg6: memref<5120xi32, #tpu.memory_space<vmem>>, %arg7: memref<40x128xi32, #tpu.memory_space<vmem>>, %arg8: memref<256x128xf32, #tpu.memory_space<vmem>>, %arg9: memref<10240x128xf32, #tpu.memory_space<vmem_shared>>, %arg10: memref<!tpu.dma_semaphore, #tpu.memory_space<semaphore_mem>>) attributes {dimension_semantics = [#tpu.dimension_semantics<core_parallel>, #tpu.dimension_semantics<subcore_parallel>], iteration_bounds = array<i64: 2, 16>, scalar_prefetch = 0 : i64, scratch_operands = 5 : i64, tpu.core_type = #tpu.core_type<sc_vector_subcore>, window_params = [{transform_indices = #map}, {transform_indices = #map1}, {transform_indices = #map}, {transform_indices = #map2}]} {
    %mul3A = arith.constant 16 : i32
    %mul3A_0 = arith.muli %arg0, %mul3A : i32
    %add3A = arith.addi %mul3A_0, %arg1 : i32
    %mul3A_1 = arith.constant 640 : i32
    %mul3A_2 = arith.muli %arg1, %mul3A_1 : i32
    %broadcast_in_dim3A = arith.constant 0.000000e+00 : f32
    %broadcast_in_dim3A_3 = vector.broadcast %broadcast_in_dim3A : f32 to vector<16xf32>
    %scan3A = arith.constant 0 : i32
    %scan3A_4 = arith.constant 0 : i32
    %scan3A_5 = arith.constant 128 : i32
    %scan3A_6 = arith.addi %scan3A_4, %scan3A_5 : i32
    %scan3A_7 = arith.constant 1 : i32
    %scan3A_8 = scf.for %scan3A_28 = %scan3A_4 to %scan3A_6 step %scan3A_7 iter_args(%scan3A_29 = %scan3A) -> (i32)  : i32 {
      %scan3A_30 = arith.constant 0 : i32
      %scan3A_31 = arith.constant 0 : i32
      %scan3A_32 = arith.constant 8 : i32
      %scan3A_33 = arith.addi %scan3A_31, %scan3A_32 : i32
      %scan3A_34 = arith.constant 1 : i32
      %scan3A_35 = scf.for %scan3A_37 = %scan3A_31 to %scan3A_33 step %scan3A_34 iter_args(%scan3A_38 = %scan3A_30) -> (i32)  : i32 {
        %mul3A_39 = arith.constant 16 : i32
        %mul3A_40 = arith.muli %scan3A_37, %mul3A_39 : i32
        %swap3A = arith.index_cast %scan3A_28 : i32 to index
        %swap3A_41 = arith.index_cast %mul3A_40 : i32 to index
        %swap3A_42 = tpu.vector_load %arg8[%swap3A, %swap3A_41] {strides = array<i32>} : memref<256x128xf32, #tpu.memory_space<vmem>>, vector<1x16xf32>,
        %swap3A_43 = vector.shape_cast %swap3A_42 : vector<1x16xf32> to vector<16xf32>
        %swap3A_44 = vector.shape_cast %broadcast_in_dim3A_3 : vector<16xf32> to vector<1x16xf32>
        tpu.vector_store %arg8[%swap3A, %swap3A_41], %swap3A_44 {strides = array<i32>} : memref<256x128xf32, #tpu.memory_space<vmem>>, vector<1x16xf32>,
        %scan3A_45 = arith.constant 0 : i32
        scf.yield %scan3A_45 : i32
      }
      %scan3A_36 = arith.constant 8 : i32
      scf.yield %scan3A_35 : i32
    }
    %scan3A_9 = arith.constant 128 : i32
    %add3A_10 = arith.constant 0 : i32
    %add3A_11 = arith.addi %mul3A_2, %add3A_10 : i32
    "tpu.region"() ({
      %run_scoped3A = tpu.sem_alloc : memref<!tpu.dma_semaphore, #tpu.memory_space<semaphore_mem>>
      %dma_start3A = arith.constant 0 : i32
      %dma_start3A_28 = arith.constant 0 : i32
      %dma_start3A_29 = tpu.memref_slice %arg8[%dma_start3A, %dma_start3A_28] : memref<256x128xf32, #tpu.memory_space<vmem>> -> memref<128x128xf32, #tpu.memory_space<vmem>>
      %dma_start3A_30 = arith.constant 0 : i32
      %dma_start3A_31 = tpu.memref_slice %arg9[%add3A_11, %dma_start3A_30] : memref<10240x128xf32, #tpu.memory_space<vmem_shared>> -> memref<128x128xf32, #tpu.memory_space<vmem_shared>>
      %dma_start3A_32 = arith.constant 0 : i32
      %dma_start3A_33 = tpu.memref_slice %arg9[%add3A_11, %dma_start3A_32] : memref<10240x128xf32, #tpu.memory_space<vmem_shared>> -> memref<128x128xf32, #tpu.memory_space<vmem_shared>>
      %dma_start3A_34 = arith.constant 0 : i32
      %dma_start3A_35 = arith.constant 0 : i32
      %dma_start3A_36 = tpu.memref_slice %arg8[%dma_start3A_34, %dma_start3A_35] : memref<256x128xf32, #tpu.memory_space<vmem>> -> memref<128x128xf32, #tpu.memory_space<vmem>>
      tpu.enqueue_dma source(%dma_start3A_36 : memref<128x128xf32, #tpu.memory_space<vmem>>) target(%dma_start3A_33 : memref<128x128xf32, #tpu.memory_space<vmem_shared>>) target_semaphore(%run_scoped3A : memref<!tpu.dma_semaphore, #tpu.memory_space<semaphore_mem>>)
      %dma_wait3A = arith.constant 0 : i32
      %dma_wait3A_37 = arith.constant 0 : i32
      %dma_wait3A_38 = tpu.memref_slice %arg8[%dma_wait3A, %dma_wait3A_37] : memref<256x128xf32, #tpu.memory_space<vmem>> -> memref<128x128xf32, #tpu.memory_space<vmem>>
      %dma_wait3A_39 = arith.constant 0 : i32
      %dma_wait3A_40 = tpu.memref_slice %arg9[%add3A_11, %dma_wait3A_39] : memref<10240x128xf32, #tpu.memory_space<vmem_shared>> -> memref<128x128xf32, #tpu.memory_space<vmem_shared>>
      %dma_wait3A_41 = arith.constant 0 : i32
      %dma_wait3A_42 = tpu.memref_slice %arg9[%add3A_11, %dma_wait3A_41] : memref<10240x128xf32, #tpu.memory_space<vmem_shared>> -> memref<128x128xf32, #tpu.memory_space<vmem_shared>>
      %dma_wait3A_43 = arith.constant 0 : i32
      %dma_wait3A_44 = arith.constant 0 : i32
      %dma_wait3A_45 = tpu.memref_slice %arg8[%dma_wait3A_43, %dma_wait3A_44] : memref<256x128xf32, #tpu.memory_space<vmem>> -> memref<128x128xf32, #tpu.memory_space<vmem>>
      tpu.wait_dma2 semaphore(%run_scoped3A : memref<!tpu.dma_semaphore, #tpu.memory_space<semaphore_mem>>) src(%dma_wait3A_45 : memref<128x128xf32, #tpu.memory_space<vmem>>) dst(%dma_wait3A_42 : memref<128x128xf32, #tpu.memory_space<vmem_shared>>)
      tpu.yield
    }) : () -> ()
    %add3A_12 = arith.constant 128 : i32
    %add3A_13 = arith.addi %mul3A_2, %add3A_12 : i32
    "tpu.region"() ({
      %run_scoped3A = tpu.sem_alloc : memref<!tpu.dma_semaphore, #tpu.memory_space<semaphore_mem>>
      %dma_start3A = arith.constant 0 : i32
      %dma_start3A_28 = arith.constant 0 : i32
      %dma_start3A_29 = tpu.memref_slice %arg8[%dma_start3A, %dma_start3A_28] : memref<256x128xf32, #tpu.memory_space<vmem>> -> memref<128x128xf32, #tpu.memory_space<vmem>>
      %dma_start3A_30 = arith.constant 0 : i32
      %dma_start3A_31 = tpu.memref_slice %arg9[%add3A_13, %dma_start3A_30] : memref<10240x128xf32, #tpu.memory_space<vmem_shared>> -> memref<128x128xf32, #tpu.memory_space<vmem_shared>>
      %dma_start3A_32 = arith.constant 0 : i32
      %dma_start3A_33 = tpu.memref_slice %arg9[%add3A_13, %dma_start3A_32] : memref<10240x128xf32, #tpu.memory_space<vmem_shared>> -> memref<128x128xf32, #tpu.memory_space<vmem_shared>>
      %dma_start3A_34 = arith.constant 0 : i32
      %dma_start3A_35 = arith.constant 0 : i32
      %dma_start3A_36 = tpu.memref_slice %arg8[%dma_start3A_34, %dma_start3A_35] : memref<256x128xf32, #tpu.memory_space<vmem>> -> memref<128x128xf32, #tpu.memory_space<vmem>>
      tpu.enqueue_dma source(%dma_start3A_36 : memref<128x128xf32, #tpu.memory_space<vmem>>) target(%dma_start3A_33 : memref<128x128xf32, #tpu.memory_space<vmem_shared>>) target_semaphore(%run_scoped3A : memref<!tpu.dma_semaphore, #tpu.memory_space<semaphore_mem>>)
      %dma_wait3A = arith.constant 0 : i32
      %dma_wait3A_37 = arith.constant 0 : i32
      %dma_wait3A_38 = tpu.memref_slice %arg8[%dma_wait3A, %dma_wait3A_37] : memref<256x128xf32, #tpu.memory_space<vmem>> -> memref<128x128xf32, #tpu.memory_space<vmem>>
      %dma_wait3A_39 = arith.constant 0 : i32
      %dma_wait3A_40 = tpu.memref_slice %arg9[%add3A_13, %dma_wait3A_39] : memref<10240x128xf32, #tpu.memory_space<vmem_shared>> -> memref<128x128xf32, #tpu.memory_space<vmem_shared>>
      %dma_wait3A_41 = arith.constant 0 : i32
      %dma_wait3A_42 = tpu.memref_slice %arg9[%add3A_13, %dma_wait3A_41] : memref<10240x128xf32, #tpu.memory_space<vmem_shared>> -> memref<128x128xf32, #tpu.memory_space<vmem_shared>>
      %dma_wait3A_43 = arith.constant 0 : i32
      %dma_wait3A_44 = arith.constant 0 : i32
      %dma_wait3A_45 = tpu.memref_slice %arg8[%dma_wait3A_43, %dma_wait3A_44] : memref<256x128xf32, #tpu.memory_space<vmem>> -> memref<128x128xf32, #tpu.memory_space<vmem>>
      tpu.wait_dma2 semaphore(%run_scoped3A : memref<!tpu.dma_semaphore, #tpu.memory_space<semaphore_mem>>) src(%dma_wait3A_45 : memref<128x128xf32, #tpu.memory_space<vmem>>) dst(%dma_wait3A_42 : memref<128x128xf32, #tpu.memory_space<vmem_shared>>)
      tpu.yield
    }) : () -> ()
    %add3A_14 = arith.constant 256 : i32
    %add3A_15 = arith.addi %mul3A_2, %add3A_14 : i32
    "tpu.region"() ({
      %run_scoped3A = tpu.sem_alloc : memref<!tpu.dma_semaphore, #tpu.memory_space<semaphore_mem>>
      %dma_start3A = arith.constant 0 : i32
      %dma_start3A_28 = arith.constant 0 : i32
      %dma_start3A_29 = tpu.memref_slice %arg8[%dma_start3A, %dma_start3A_28] : memref<256x128xf32, #tpu.memory_space<vmem>> -> memref<128x128xf32, #tpu.memory_space<vmem>>
      %dma_start3A_30 = arith.constant 0 : i32
      %dma_start3A_31 = tpu.memref_slice %arg9[%add3A_15, %dma_start3A_30] : memref<10240x128xf32, #tpu.memory_space<vmem_shared>> -> memref<128x128xf32, #tpu.memory_space<vmem_shared>>
      %dma_start3A_32 = arith.constant 0 : i32
      %dma_start3A_33 = tpu.memref_slice %arg9[%add3A_15, %dma_start3A_32] : memref<10240x128xf32, #tpu.memory_space<vmem_shared>> -> memref<128x128xf32, #tpu.memory_space<vmem_shared>>
      %dma_start3A_34 = arith.constant 0 : i32
      %dma_start3A_35 = arith.constant 0 : i32
      %dma_start3A_36 = tpu.memref_slice %arg8[%dma_start3A_34, %dma_start3A_35] : memref<256x128xf32, #tpu.memory_space<vmem>> -> memref<128x128xf32, #tpu.memory_space<vmem>>
      tpu.enqueue_dma source(%dma_start3A_36 : memref<128x128xf32, #tpu.memory_space<vmem>>) target(%dma_start3A_33 : memref<128x128xf32, #tpu.memory_space<vmem_shared>>) target_semaphore(%run_scoped3A : memref<!tpu.dma_semaphore, #tpu.memory_space<semaphore_mem>>)
      %dma_wait3A = arith.constant 0 : i32
      %dma_wait3A_37 = arith.constant 0 : i32
      %dma_wait3A_38 = tpu.memref_slice %arg8[%dma_wait3A, %dma_wait3A_37] : memref<256x128xf32, #tpu.memory_space<vmem>> -> memref<128x128xf32, #tpu.memory_space<vmem>>
      %dma_wait3A_39 = arith.constant 0 : i32
      %dma_wait3A_40 = tpu.memref_slice %arg9[%add3A_15, %dma_wait3A_39] : memref<10240x128xf32, #tpu.memory_space<vmem_shared>> -> memref<128x128xf32, #tpu.memory_space<vmem_shared>>
      %dma_wait3A_41 = arith.constant 0 : i32
      %dma_wait3A_42 = tpu.memref_slice %arg9[%add3A_15, %dma_wait3A_41] : memref<10240x128xf32, #tpu.memory_space<vmem_shared>> -> memref<128x128xf32, #tpu.memory_space<vmem_shared>>
      %dma_wait3A_43 = arith.constant 0 : i32
      %dma_wait3A_44 = arith.constant 0 : i32
      %dma_wait3A_45 = tpu.memref_slice %arg8[%dma_wait3A_43, %dma_wait3A_44] : memref<256x128xf32, #tpu.memory_space<vmem>> -> memref<128x128xf32, #tpu.memory_space<vmem>>
      tpu.wait_dma2 semaphore(%run_scoped3A : memref<!tpu.dma_semaphore, #tpu.memory_space<semaphore_mem>>) src(%dma_wait3A_45 : memref<128x128xf32, #tpu.memory_space<vmem>>) dst(%dma_wait3A_42 : memref<128x128xf32, #tpu.memory_space<vmem_shared>>)
      tpu.yield
    }) : () -> ()
    %add3A_16 = arith.constant 384 : i32
    %add3A_17 = arith.addi %mul3A_2, %add3A_16 : i32
    "tpu.region"() ({
      %run_scoped3A = tpu.sem_alloc : memref<!tpu.dma_semaphore, #tpu.memory_space<semaphore_mem>>
      %dma_start3A = arith.constant 0 : i32
      %dma_start3A_28 = arith.constant 0 : i32
      %dma_start3A_29 = tpu.memref_slice %arg8[%dma_start3A, %dma_start3A_28] : memref<256x128xf32, #tpu.memory_space<vmem>> -> memref<128x128xf32, #tpu.memory_space<vmem>>
      %dma_start3A_30 = arith.constant 0 : i32
      %dma_start3A_31 = tpu.memref_slice %arg9[%add3A_17, %dma_start3A_30] : memref<10240x128xf32, #tpu.memory_space<vmem_shared>> -> memref<128x128xf32, #tpu.memory_space<vmem_shared>>
      %dma_start3A_32 = arith.constant 0 : i32
      %dma_start3A_33 = tpu.memref_slice %arg9[%add3A_17, %dma_start3A_32] : memref<10240x128xf32, #tpu.memory_space<vmem_shared>> -> memref<128x128xf32, #tpu.memory_space<vmem_shared>>
      %dma_start3A_34 = arith.constant 0 : i32
      %dma_start3A_35 = arith.constant 0 : i32
      %dma_start3A_36 = tpu.memref_slice %arg8[%dma_start3A_34, %dma_start3A_35] : memref<256x128xf32, #tpu.memory_space<vmem>> -> memref<128x128xf32, #tpu.memory_space<vmem>>
      tpu.enqueue_dma source(%dma_start3A_36 : memref<128x128xf32, #tpu.memory_space<vmem>>) target(%dma_start3A_33 : memref<128x128xf32, #tpu.memory_space<vmem_shared>>) target_semaphore(%run_scoped3A : memref<!tpu.dma_semaphore, #tpu.memory_space<semaphore_mem>>)
      %dma_wait3A = arith.constant 0 : i32
      %dma_wait3A_37 = arith.constant 0 : i32
      %dma_wait3A_38 = tpu.memref_slice %arg8[%dma_wait3A, %dma_wait3A_37] : memref<256x128xf32, #tpu.memory_space<vmem>> -> memref<128x128xf32, #tpu.memory_space<vmem>>
      %dma_wait3A_39 = arith.constant 0 : i32
      %dma_wait3A_40 = tpu.memref_slice %arg9[%add3A_17, %dma_wait3A_39] : memref<10240x128xf32, #tpu.memory_space<vmem_shared>> -> memref<128x128xf32, #tpu.memory_space<vmem_shared>>
      %dma_wait3A_41 = arith.constant 0 : i32
      %dma_wait3A_42 = tpu.memref_slice %arg9[%add3A_17, %dma_wait3A_41] : memref<10240x128xf32, #tpu.memory_space<vmem_shared>> -> memref<128x128xf32, #tpu.memory_space<vmem_shared>>
      %dma_wait3A_43 = arith.constant 0 : i32
      %dma_wait3A_44 = arith.constant 0 : i32
      %dma_wait3A_45 = tpu.memref_slice %arg8[%dma_wait3A_43, %dma_wait3A_44] : memref<256x128xf32, #tpu.memory_space<vmem>> -> memref<128x128xf32, #tpu.memory_space<vmem>>
      tpu.wait_dma2 semaphore(%run_scoped3A : memref<!tpu.dma_semaphore, #tpu.memory_space<semaphore_mem>>) src(%dma_wait3A_45 : memref<128x128xf32, #tpu.memory_space<vmem>>) dst(%dma_wait3A_42 : memref<128x128xf32, #tpu.memory_space<vmem_shared>>)
      tpu.yield
    }) : () -> ()
    %add3A_18 = arith.constant 512 : i32
    %add3A_19 = arith.addi %mul3A_2, %add3A_18 : i32
    "tpu.region"() ({
      %run_scoped3A = tpu.sem_alloc : memref<!tpu.dma_semaphore, #tpu.memory_space<semaphore_mem>>
      %dma_start3A = arith.constant 0 : i32
      %dma_start3A_28 = arith.constant 0 : i32
      %dma_start3A_29 = tpu.memref_slice %arg8[%dma_start3A, %dma_start3A_28] : memref<256x128xf32, #tpu.memory_space<vmem>> -> memref<128x128xf32, #tpu.memory_space<vmem>>
      %dma_start3A_30 = arith.constant 0 : i32
      %dma_start3A_31 = tpu.memref_slice %arg9[%add3A_19, %dma_start3A_30] : memref<10240x128xf32, #tpu.memory_space<vmem_shared>> -> memref<128x128xf32, #tpu.memory_space<vmem_shared>>
      %dma_start3A_32 = arith.constant 0 : i32
      %dma_start3A_33 = tpu.memref_slice %arg9[%add3A_19, %dma_start3A_32] : memref<10240x128xf32, #tpu.memory_space<vmem_shared>> -> memref<128x128xf32, #tpu.memory_space<vmem_shared>>
      %dma_start3A_34 = arith.constant 0 : i32
      %dma_start3A_35 = arith.constant 0 : i32
      %dma_start3A_36 = tpu.memref_slice %arg8[%dma_start3A_34, %dma_start3A_35] : memref<256x128xf32, #tpu.memory_space<vmem>> -> memref<128x128xf32, #tpu.memory_space<vmem>>
      tpu.enqueue_dma source(%dma_start3A_36 : memref<128x128xf32, #tpu.memory_space<vmem>>) target(%dma_start3A_33 : memref<128x128xf32, #tpu.memory_space<vmem_shared>>) target_semaphore(%run_scoped3A : memref<!tpu.dma_semaphore, #tpu.memory_space<semaphore_mem>>)
      %dma_wait3A = arith.constant 0 : i32
      %dma_wait3A_37 = arith.constant 0 : i32
      %dma_wait3A_38 = tpu.memref_slice %arg8[%dma_wait3A, %dma_wait3A_37] : memref<256x128xf32, #tpu.memory_space<vmem>> -> memref<128x128xf32, #tpu.memory_space<vmem>>
      %dma_wait3A_39 = arith.constant 0 : i32
      %dma_wait3A_40 = tpu.memref_slice %arg9[%add3A_19, %dma_wait3A_39] : memref<10240x128xf32, #tpu.memory_space<vmem_shared>> -> memref<128x128xf32, #tpu.memory_space<vmem_shared>>
      %dma_wait3A_41 = arith.constant 0 : i32
      %dma_wait3A_42 = tpu.memref_slice %arg9[%add3A_19, %dma_wait3A_41] : memref<10240x128xf32, #tpu.memory_space<vmem_shared>> -> memref<128x128xf32, #tpu.memory_space<vmem_shared>>
      %dma_wait3A_43 = arith.constant 0 : i32
      %dma_wait3A_44 = arith.constant 0 : i32
      %dma_wait3A_45 = tpu.memref_slice %arg8[%dma_wait3A_43, %dma_wait3A_44] : memref<256x128xf32, #tpu.memory_space<vmem>> -> memref<128x128xf32, #tpu.memory_space<vmem>>
      tpu.wait_dma2 semaphore(%run_scoped3A : memref<!tpu.dma_semaphore, #tpu.memory_space<semaphore_mem>>) src(%dma_wait3A_45 : memref<128x128xf32, #tpu.memory_space<vmem>>) dst(%dma_wait3A_42 : memref<128x128xf32, #tpu.memory_space<vmem_shared>>)
      tpu.yield
    }) : () -> ()
    %barrier3A = arith.constant 0 : index
    tpu.barrier barrier_id(%barrier3A)
    %scan3A_20 = arith.constant 0 : i32
    %scan3A_21 = arith.constant 0 : i32
    %scan3A_22 = arith.constant 2 : i32
    %scan3A_23 = arith.addi %scan3A_21, %scan3A_22 : i32
    %scan3A_24 = arith.constant 1 : i32
    %scan3A_25 = scf.for %scan3A_28 = %scan3A_21 to %scan3A_23 step %scan3A_24 iter_args(%scan3A_29 = %scan3A_20) -> (i32)  : i32 {
      %mul3A_30 = arith.constant 2 : i32
      %mul3A_31 = arith.muli %add3A, %mul3A_30 : i32
      %add3A_32 = arith.addi %mul3A_31, %scan3A_28 : i32
      %mul3A_33 = arith.constant 40 : i32
      %mul3A_34 = arith.muli %add3A_32, %mul3A_33 : i32
      "tpu.region"() ({
        %run_scoped3A = tpu.sem_alloc : memref<!tpu.dma_semaphore, #tpu.memory_space<semaphore_mem>>
        %dma_start3A = arith.constant 0 : i32
        %dma_start3A_45 = tpu.memref_slice %arg4[%mul3A_34, %dma_start3A] : memref<2560x128xi32, #tpu.memory_space<hbm>> -> memref<40x128xi32, #tpu.memory_space<hbm>>
        %dma_start3A_46 = arith.constant 0 : i32
        %dma_start3A_47 = tpu.memref_slice %arg4[%mul3A_34, %dma_start3A_46] : memref<2560x128xi32, #tpu.memory_space<hbm>> -> memref<40x128xi32, #tpu.memory_space<hbm>>
        tpu.enqueue_dma source(%dma_start3A_47 : memref<40x128xi32, #tpu.memory_space<hbm>>) target(%arg7 : memref<40x128xi32, #tpu.memory_space<vmem>>) target_semaphore(%run_scoped3A : memref<!tpu.dma_semaphore, #tpu.memory_space<semaphore_mem>>)
        %dma_wait3A = arith.constant 0 : i32
        %dma_wait3A_48 = tpu.memref_slice %arg4[%mul3A_34, %dma_wait3A] : memref<2560x128xi32, #tpu.memory_space<hbm>> -> memref<40x128xi32, #tpu.memory_space<hbm>>
        %dma_wait3A_49 = arith.constant 0 : i32
        %dma_wait3A_50 = tpu.memref_slice %arg4[%mul3A_34, %dma_wait3A_49] : memref<2560x128xi32, #tpu.memory_space<hbm>> -> memref<40x128xi32, #tpu.memory_space<hbm>>
        tpu.wait_dma2 semaphore(%run_scoped3A : memref<!tpu.dma_semaphore, #tpu.memory_space<semaphore_mem>>) src(%dma_wait3A_50 : memref<40x128xi32, #tpu.memory_space<hbm>>) dst(%arg7 : memref<40x128xi32, #tpu.memory_space<vmem>>)
        tpu.yield
      }) : () -> ()
      %mul3A_35 = arith.constant 128 : i32
      %mul3A_36 = arith.muli %mul3A_34, %mul3A_35 : i32
      "tpu.region"() ({
        %run_scoped3A = tpu.sem_alloc : memref<!tpu.dma_semaphore, #tpu.memory_space<semaphore_mem>>
        %dma_start3A = tpu.memref_slice %arg3[%mul3A_36] : memref<327680xi32, #tpu.memory_space<hbm>> -> memref<5120xi32, #tpu.memory_space<hbm>>
        %dma_start3A_45 = tpu.memref_slice %arg3[%mul3A_36] : memref<327680xi32, #tpu.memory_space<hbm>> -> memref<5120xi32, #tpu.memory_space<hbm>>
        tpu.enqueue_dma source(%dma_start3A_45 : memref<5120xi32, #tpu.memory_space<hbm>>) target(%arg6 : memref<5120xi32, #tpu.memory_space<vmem>>) target_semaphore(%run_scoped3A : memref<!tpu.dma_semaphore, #tpu.memory_space<semaphore_mem>>)
        %dma_wait3A = tpu.memref_slice %arg3[%mul3A_36] : memref<327680xi32, #tpu.memory_space<hbm>> -> memref<5120xi32, #tpu.memory_space<hbm>>
        %dma_wait3A_46 = tpu.memref_slice %arg3[%mul3A_36] : memref<327680xi32, #tpu.memory_space<hbm>> -> memref<5120xi32, #tpu.memory_space<hbm>>
        tpu.wait_dma2 semaphore(%run_scoped3A : memref<!tpu.dma_semaphore, #tpu.memory_space<semaphore_mem>>) src(%dma_wait3A_46 : memref<5120xi32, #tpu.memory_space<hbm>>) dst(%arg6 : memref<5120xi32, #tpu.memory_space<vmem>>)
        tpu.yield
      }) : () -> ()
      %scan3A_37 = arith.constant 0 : i32
      %scan3A_38 = arith.constant 0 : i32
      %scan3A_39 = arith.constant 20 : i32
      %scan3A_40 = arith.addi %scan3A_38, %scan3A_39 : i32
      %scan3A_41 = arith.constant 1 : i32
      %scan3A_42 = scf.for %scan3A_45 = %scan3A_38 to %scan3A_40 step %scan3A_41 iter_args(%scan3A_46 = %scan3A_37) -> (i32)  : i32 {
        %mul3A_47 = arith.constant 256 : i32
        %mul3A_48 = arith.muli %scan3A_45, %mul3A_47 : i32
        %dma_start3A = tpu.memref_slice %arg6[%mul3A_48] : memref<5120xi32, #tpu.memory_space<vmem>> -> memref<256xi32, #tpu.memory_space<vmem>>
        %dma_start3A_49 = arith.constant 0 : i32
        %dma_start3A_50 = arith.constant 0 : i32
        %dma_start3A_51 = tpu.memref_slice %arg2[%dma_start3A_49, %dma_start3A_50] : memref<10000x128xf32, #tpu.memory_space<hbm>> -> memref<10000x128xf32, #tpu.memory_space<hbm>>
        tpu.enqueue_indirect_dma source(%dma_start3A_51 : memref<10000x128xf32, #tpu.memory_space<hbm>>) target(%arg8 : memref<256x128xf32, #tpu.memory_space<vmem>>) offsets(%dma_start3A : memref<256xi32, #tpu.memory_space<vmem>>) semaphore(%arg10 : memref<!tpu.dma_semaphore, #tpu.memory_space<semaphore_mem>>)
        %dma_wait3A = tpu.memref_slice %arg6[%mul3A_48] : memref<5120xi32, #tpu.memory_space<vmem>> -> memref<256xi32, #tpu.memory_space<vmem>>
        %dma_wait3A_52 = arith.constant 0 : i32
        %dma_wait3A_53 = arith.constant 0 : i32
        %dma_wait3A_54 = tpu.memref_slice %arg2[%dma_wait3A_52, %dma_wait3A_53] : memref<10000x128xf32, #tpu.memory_space<hbm>> -> memref<10000x128xf32, #tpu.memory_space<hbm>>
        tpu.wait_indirect_dma semaphore(%arg10 : memref<!tpu.dma_semaphore, #tpu.memory_space<semaphore_mem>>) src(%dma_wait3A_54 : memref<10000x128xf32, #tpu.memory_space<hbm>>) dst(%arg8 : memref<256x128xf32, #tpu.memory_space<vmem>>)
        %mul3A_55 = arith.constant 2 : i32
        %mul3A_56 = arith.muli %mul3A_55, %scan3A_45 : i32
        "tpu.region"() ({
          %run_scoped3A = tpu.sem_alloc : memref<!tpu.dma_semaphore, #tpu.memory_space<semaphore_mem>>
          %dma_start3A_62 = arith.constant 0 : i32
          %dma_start3A_63 = arith.constant 0 : i32
          %dma_start3A_64 = tpu.memref_slice %arg8[%dma_start3A_62, %dma_start3A_63] : memref<256x128xf32, #tpu.memory_space<vmem>> -> memref<128x128xf32, #tpu.memory_space<vmem>>
          %dma_start3A_65 = arith.constant 0 : i32
          %dma_start3A_66 = tpu.memref_slice %arg7[%mul3A_56, %dma_start3A_65] : memref<40x128xi32, #tpu.memory_space<vmem>> -> memref<1x128xi32, #tpu.memory_space<vmem>>
          %dma_start3A_67 = tpu.memref_squeeze %dma_start3A_66 : memref<1x128xi32, #tpu.memory_space<vmem>> -> memref<128xi32, #tpu.memory_space<vmem>>
          %dma_start3A_68 = arith.constant 0 : i32
          %dma_start3A_69 = arith.constant 0 : i32
          %dma_start3A_70 = tpu.memref_slice %arg9[%dma_start3A_68, %dma_start3A_69] : memref<10240x128xf32, #tpu.memory_space<vmem_shared>> -> memref<10240x128xf32, #tpu.memory_space<vmem_shared>>
          tpu.enqueue_indirect_dma source(%dma_start3A_64 : memref<128x128xf32, #tpu.memory_space<vmem>>) target(%dma_start3A_70 : memref<10240x128xf32, #tpu.memory_space<vmem_shared>>) offsets(%dma_start3A_67 : memref<128xi32, #tpu.memory_space<vmem>>) semaphore(%run_scoped3A : memref<!tpu.dma_semaphore, #tpu.memory_space<semaphore_mem>>) {add = true}
          %dma_wait3A_71 = arith.constant 0 : i32
          %dma_wait3A_72 = arith.constant 0 : i32
          %dma_wait3A_73 = tpu.memref_slice %arg8[%dma_wait3A_71, %dma_wait3A_72] : memref<256x128xf32, #tpu.memory_space<vmem>> -> memref<128x128xf32, #tpu.memory_space<vmem>>
          %dma_wait3A_74 = arith.constant 0 : i32
          %dma_wait3A_75 = tpu.memref_slice %arg7[%mul3A_56, %dma_wait3A_74] : memref<40x128xi32, #tpu.memory_space<vmem>> -> memref<1x128xi32, #tpu.memory_space<vmem>>
          %dma_wait3A_76 = tpu.memref_squeeze %dma_wait3A_75 : memref<1x128xi32, #tpu.memory_space<vmem>> -> memref<128xi32, #tpu.memory_space<vmem>>
          %dma_wait3A_77 = arith.constant 0 : i32
          %dma_wait3A_78 = arith.constant 0 : i32
          %dma_wait3A_79 = tpu.memref_slice %arg9[%dma_wait3A_77, %dma_wait3A_78] : memref<10240x128xf32, #tpu.memory_space<vmem_shared>> -> memref<10240x128xf32, #tpu.memory_space<vmem_shared>>
          tpu.wait_indirect_dma semaphore(%run_scoped3A : memref<!tpu.dma_semaphore, #tpu.memory_space<semaphore_mem>>) src(%dma_wait3A_73 : memref<128x128xf32, #tpu.memory_space<vmem>>) dst(%dma_wait3A_79 : memref<10240x128xf32, #tpu.memory_space<vmem_shared>>)
          tpu.yield
        }) : () -> ()
        %mul3A_57 = arith.constant 2 : i32
        %mul3A_58 = arith.muli %mul3A_57, %scan3A_45 : i32
        %add3A_59 = arith.constant 1 : i32
        %add3A_60 = arith.addi %mul3A_58, %add3A_59 : i32
        "tpu.region"() ({
          %run_scoped3A = tpu.sem_alloc : memref<!tpu.dma_semaphore, #tpu.memory_space<semaphore_mem>>
          %dma_start3A_62 = arith.constant 128 : i32
          %dma_start3A_63 = arith.constant 0 : i32
          %dma_start3A_64 = tpu.memref_slice %arg8[%dma_start3A_62, %dma_start3A_63] : memref<256x128xf32, #tpu.memory_space<vmem>> -> memref<128x128xf32, #tpu.memory_space<vmem>>
          %dma_start3A_65 = arith.constant 0 : i32
          %dma_start3A_66 = tpu.memref_slice %arg7[%add3A_60, %dma_start3A_65] : memref<40x128xi32, #tpu.memory_space<vmem>> -> memref<1x128xi32, #tpu.memory_space<vmem>>
          %dma_start3A_67 = tpu.memref_squeeze %dma_start3A_66 : memref<1x128xi32, #tpu.memory_space<vmem>> -> memref<128xi32, #tpu.memory_space<vmem>>
          %dma_start3A_68 = arith.constant 0 : i32
          %dma_start3A_69 = arith.constant 0 : i32
          %dma_start3A_70 = tpu.memref_slice %arg9[%dma_start3A_68, %dma_start3A_69] : memref<10240x128xf32, #tpu.memory_space<vmem_shared>> -> memref<10240x128xf32, #tpu.memory_space<vmem_shared>>
          tpu.enqueue_indirect_dma source(%dma_start3A_64 : memref<128x128xf32, #tpu.memory_space<vmem>>) target(%dma_start3A_70 : memref<10240x128xf32, #tpu.memory_space<vmem_shared>>) offsets(%dma_start3A_67 : memref<128xi32, #tpu.memory_space<vmem>>) semaphore(%run_scoped3A : memref<!tpu.dma_semaphore, #tpu.memory_space<semaphore_mem>>) {add = true}
          %dma_wait3A_71 = arith.constant 128 : i32
          %dma_wait3A_72 = arith.constant 0 : i32
          %dma_wait3A_73 = tpu.memref_slice %arg8[%dma_wait3A_71, %dma_wait3A_72] : memref<256x128xf32, #tpu.memory_space<vmem>> -> memref<128x128xf32, #tpu.memory_space<vmem>>
          %dma_wait3A_74 = arith.constant 0 : i32
          %dma_wait3A_75 = tpu.memref_slice %arg7[%add3A_60, %dma_wait3A_74] : memref<40x128xi32, #tpu.memory_space<vmem>> -> memref<1x128xi32, #tpu.memory_space<vmem>>
          %dma_wait3A_76 = tpu.memref_squeeze %dma_wait3A_75 : memref<1x128xi32, #tpu.memory_space<vmem>> -> memref<128xi32, #tpu.memory_space<vmem>>
          %dma_wait3A_77 = arith.constant 0 : i32
          %dma_wait3A_78 = arith.constant 0 : i32
          %dma_wait3A_79 = tpu.memref_slice %arg9[%dma_wait3A_77, %dma_wait3A_78] : memref<10240x128xf32, #tpu.memory_space<vmem_shared>> -> memref<10240x128xf32, #tpu.memory_space<vmem_shared>>
          tpu.wait_indirect_dma semaphore(%run_scoped3A : memref<!tpu.dma_semaphore, #tpu.memory_space<semaphore_mem>>) src(%dma_wait3A_73 : memref<128x128xf32, #tpu.memory_space<vmem>>) dst(%dma_wait3A_79 : memref<10240x128xf32, #tpu.memory_space<vmem_shared>>)
          tpu.yield
        }) : () -> ()
        %scan3A_61 = arith.constant 0 : i32
        scf.yield %scan3A_61 : i32
      }
      %scan3A_43 = arith.constant 20 : i32
      %scan3A_44 = arith.constant 0 : i32
      scf.yield %scan3A_44 : i32
    }
    %scan3A_26 = arith.constant 2 : i32
    %barrier3A_27 = arith.constant 0 : index
    tpu.barrier barrier_id(%barrier3A_27)
    "tpu.region"() ({
      %run_scoped3A = tpu.sem_alloc : memref<!tpu.dma_semaphore, #tpu.memory_space<semaphore_mem>>
      %dma_start3A = arith.constant 0 : i32
      %dma_start3A_28 = tpu.memref_slice %arg5[%arg0, %mul3A_2, %dma_start3A] : memref<2x10240x128xf32, #tpu.memory_space<hbm>> -> memref<1x640x128xf32, #tpu.memory_space<hbm>>
      %dma_start3A_29 = tpu.memref_squeeze %dma_start3A_28 : memref<1x640x128xf32, #tpu.memory_space<hbm>> -> memref<640x128xf32, #tpu.memory_space<hbm>>
      %dma_start3A_30 = arith.constant 0 : i32
      %dma_start3A_31 = tpu.memref_slice %arg9[%mul3A_2, %dma_start3A_30] : memref<10240x128xf32, #tpu.memory_space<vmem_shared>> -> memref<640x128xf32, #tpu.memory_space<vmem_shared>>
      tpu.enqueue_dma source(%dma_start3A_31 : memref<640x128xf32, #tpu.memory_space<vmem_shared>>) target(%dma_start3A_29 : memref<640x128xf32, #tpu.memory_space<hbm>>) target_semaphore(%run_scoped3A : memref<!tpu.dma_semaphore, #tpu.memory_space<semaphore_mem>>)
      %dma_wait3A = arith.constant 0 : i32
      %dma_wait3A_32 = tpu.memref_slice %arg5[%arg0, %mul3A_2, %dma_wait3A] : memref<2x10240x128xf32, #tpu.memory_space<hbm>> -> memref<1x640x128xf32, #tpu.memory_space<hbm>>
      %dma_wait3A_33 = tpu.memref_squeeze %dma_wait3A_32 : memref<1x640x128xf32, #tpu.memory_space<hbm>> -> memref<640x128xf32, #tpu.memory_space<hbm>>
      %dma_wait3A_34 = arith.constant 0 : i32
      %dma_wait3A_35 = tpu.memref_slice %arg9[%mul3A_2, %dma_wait3A_34] : memref<10240x128xf32, #tpu.memory_space<vmem_shared>> -> memref<640x128xf32, #tpu.memory_space<vmem_shared>>
      tpu.wait_dma2 semaphore(%run_scoped3A : memref<!tpu.dma_semaphore, #tpu.memory_space<semaphore_mem>>) src(%dma_wait3A_35 : memref<640x128xf32, #tpu.memory_space<vmem_shared>>) dst(%dma_wait3A_33 : memref<640x128xf32, #tpu.memory_space<hbm>>)
      tpu.yield
    }) : () -> ()
    return
  }
}

module attributes {stable_mosaic.version = 14 : i64} {
  func.func @_prep_body(%arg0: i32, %arg1: memref<1000x128xf32, #tpu.memory_space<vmem>>, %arg2: memref<128x128xf32, #tpu.memory_space<vmem>>, %arg3: memref<2x1000x1xf32, #tpu.memory_space<vmem>>, %arg4: memref<1000x128xf32, #tpu.memory_space<vmem>>, %arg5: memref<1000x1xf32, #tpu.memory_space<vmem>>) attributes {dimension_semantics = [#tpu.dimension_semantics<arbitrary>], iteration_bounds = array<i64: 10>, scalar_prefetch = 0 : i64, scratch_operands = 0 : i64, tpu.core_type = #tpu.core_type<tc>, window_params = [{transform_indices = @transform_0, window_bounds = array<i64: 1000, 128>}, {pipeline_mode = #tpu.pipeline_mode<synchronous>, transform_indices = @transform_1, window_bounds = array<i64: 128, 128>}, {transform_indices = @transform_2, window_bounds = array<i64: 2, 1000, 1>}, {transform_indices = @transform_3, window_bounds = array<i64: 1000, 128>}, {transform_indices = @transform_4, window_bounds = array<i64: 1000, 1>}]} {
    %get3A = arith.constant 0 : index
    %get3A_0 = arith.constant 0 : index
    %get3A_1 = vector.load %arg1[%get3A, %get3A_0] : memref<1000x128xf32, #tpu.memory_space<vmem>>, vector<1000x128xf32>
    %get3A_2 = arith.constant 0 : index
    %get3A_3 = arith.constant 0 : index
    %get3A_4 = vector.load %arg2[%get3A_2, %get3A_3] : memref<128x128xf32, #tpu.memory_space<vmem>>, vector<128x128xf32>
    %dot_general3A = arith.constant dense<0.000000e+00> : vector<1000x128xf32>
    %dot_general3A_5 = tpu.matmul %get3A_1, %get3A_4, %dot_general3A {dimension_numbers = #tpu.dot_dimension_numbers<[1], [0], [0], [1], [0, 0, 1, 1], [], []>, transpose_lhs_hint = false} : vector<1000x128xf32>, vector<128x128xf32>, vector<1000x128xf32> -> vector<1000x128xf32>
    %get3A_6 = arith.constant 0 : index
    %get3A_7 = arith.constant 0 : index
    %get3A_8 = arith.constant 0 : index
    %get3A_9 = vector.load %arg3[%get3A_6, %get3A_7, %get3A_8] : memref<2x1000x1xf32, #tpu.memory_space<vmem>>, vector<1x1000x1xf32>
    %get3A_10 = vector.shape_cast %get3A_9 : vector<1x1000x1xf32> to vector<1000x1xf32>
    %get3A_11 = arith.constant 1 : index
    %get3A_12 = arith.constant 0 : index
    %get3A_13 = arith.constant 0 : index
    %get3A_14 = vector.load %arg3[%get3A_11, %get3A_12, %get3A_13] : memref<2x1000x1xf32, #tpu.memory_space<vmem>>, vector<1x1000x1xf32>
    %get3A_15 = vector.shape_cast %get3A_14 : vector<1x1000x1xf32> to vector<1000x1xf32>
    %add3A = arith.addf %get3A_10, %get3A_15 : vector<1000x1xf32>
    %add3A_16 = arith.constant 1.000000e+00 : f32
    %add3A_17 = vector.broadcast %add3A_16 : f32 to vector<1000x1xf32>
    %add3A_18 = arith.addf %add3A, %add3A_17 : vector<1000x1xf32>
    %rsqrt3A = math.rsqrt %add3A_18 : vector<1000x1xf32>
    %mul3A = vector.broadcast %rsqrt3A : vector<1000x1xf32> to vector<1000x128xf32>
    %mul3A_19 = arith.mulf %dot_general3A_5, %mul3A : vector<1000x128xf32>
    %swap3A = arith.constant 0 : index
    %swap3A_20 = arith.constant 0 : index
    %swap3A_21 = vector.load %arg4[%swap3A, %swap3A_20] : memref<1000x128xf32, #tpu.memory_space<vmem>>, vector<1000x128xf32>
    tpu.vector_store %arg4[%swap3A, %swap3A_20], %mul3A_19 {strides = array<i32>} : memref<1000x128xf32, #tpu.memory_space<vmem>>, vector<1000x128xf32>,
    %swap3A_22 = arith.constant 0 : index
    %swap3A_23 = arith.constant 0 : index
    %swap3A_24 = vector.load %arg5[%swap3A_22, %swap3A_23] : memref<1000x1xf32, #tpu.memory_space<vmem>>, vector<1000x1xf32>
    tpu.vector_store %arg5[%swap3A_22, %swap3A_23], %rsqrt3A {strides = array<i32>} : memref<1000x1xf32, #tpu.memory_space<vmem>>, vector<1000x1xf32>,
    return
  }
  func.func @transform_0(%arg0: i32) -> (i32, i32) {
    %c0_i32 = arith.constant 0 : i32
    %c0_i32_0 = arith.constant 0 : i32
    return %arg0, %c0_i32 : i32, i32
  }
  func.func @transform_1(%arg0: i32) -> (i32, i32) {
    %c0_i32 = arith.constant 0 : i32
    %c0_i32_0 = arith.constant 0 : i32
    %c0_i32_1 = arith.constant 0 : i32
    return %c0_i32, %c0_i32_0 : i32, i32
  }
  func.func @transform_2(%arg0: i32) -> (i32, i32, i32) {
    %c0_i32 = arith.constant 0 : i32
    %c0_i32_0 = arith.constant 0 : i32
    %c0_i32_1 = arith.constant 0 : i32
    return %c0_i32, %arg0, %c0_i32_0 : i32, i32, i32
  }
  func.func @transform_3(%arg0: i32) -> (i32, i32) {
    %c0_i32 = arith.constant 0 : i32
    %c0_i32_0 = arith.constant 0 : i32
    return %arg0, %c0_i32 : i32, i32
  }
  func.func @transform_4(%arg0: i32) -> (i32, i32) {
    %c0_i32 = arith.constant 0 : i32
    %c0_i32_0 = arith.constant 0 : i32
    return %arg0, %c0_i32 : i32, i32
  }
}

module attributes {stable_mosaic.version = 14 : i64} {
  func.func @_mid_body(%arg0: i32, %arg1: memref<2x1000x128xf32, #tpu.memory_space<vmem>>, %arg2: memref<1000x128xf32, #tpu.memory_space<vmem>>, %arg3: memref<1000x1xf32, #tpu.memory_space<vmem>>, %arg4: memref<1x128xf32, #tpu.memory_space<vmem>>, %arg5: memref<128x128xf32, #tpu.memory_space<vmem>>, %arg6: memref<1000x128xf32, #tpu.memory_space<vmem>>) attributes {dimension_semantics = [#tpu.dimension_semantics<arbitrary>], iteration_bounds = array<i64: 10>, scalar_prefetch = 0 : i64, scratch_operands = 0 : i64, tpu.core_type = #tpu.core_type<tc>, window_params = [{transform_indices = @transform_0, window_bounds = array<i64: 2, 1000, 128>}, {transform_indices = @transform_1, window_bounds = array<i64: 1000, 128>}, {transform_indices = @transform_2, window_bounds = array<i64: 1000, 1>}, {pipeline_mode = #tpu.pipeline_mode<synchronous>, transform_indices = @transform_3, window_bounds = array<i64: 1, 128>}, {pipeline_mode = #tpu.pipeline_mode<synchronous>, transform_indices = @transform_4, window_bounds = array<i64: 128, 128>}, {transform_indices = @transform_5, window_bounds = array<i64: 1000, 128>}]} {
    %get3A = arith.constant 0 : index
    %get3A_0 = arith.constant 0 : index
    %get3A_1 = arith.constant 0 : index
    %get3A_2 = vector.load %arg1[%get3A, %get3A_0, %get3A_1] : memref<2x1000x128xf32, #tpu.memory_space<vmem>>, vector<1x1000x128xf32>
    %get3A_3 = vector.shape_cast %get3A_2 : vector<1x1000x128xf32> to vector<1000x128xf32>
    %get3A_4 = arith.constant 1 : index
    %get3A_5 = arith.constant 0 : index
    %get3A_6 = arith.constant 0 : index
    %get3A_7 = vector.load %arg1[%get3A_4, %get3A_5, %get3A_6] : memref<2x1000x128xf32, #tpu.memory_space<vmem>>, vector<1x1000x128xf32>
    %get3A_8 = vector.shape_cast %get3A_7 : vector<1x1000x128xf32> to vector<1000x128xf32>
    %add3A = arith.addf %get3A_3, %get3A_8 : vector<1000x128xf32>
    %get3A_9 = arith.constant 0 : index
    %get3A_10 = arith.constant 0 : index
    %get3A_11 = vector.load %arg2[%get3A_9, %get3A_10] : memref<1000x128xf32, #tpu.memory_space<vmem>>, vector<1000x128xf32>
    %add3A_12 = arith.addf %add3A, %get3A_11 : vector<1000x128xf32>
    %get3A_13 = arith.constant 0 : index
    %get3A_14 = arith.constant 0 : index
    %get3A_15 = vector.load %arg3[%get3A_13, %get3A_14] : memref<1000x1xf32, #tpu.memory_space<vmem>>, vector<1000x1xf32>
    %mul3A = vector.broadcast %get3A_15 : vector<1000x1xf32> to vector<1000x128xf32>
    %mul3A_16 = arith.mulf %mul3A, %add3A_12 : vector<1000x128xf32>
    %get3A_17 = arith.constant 0 : index
    %get3A_18 = arith.constant 0 : index
    %get3A_19 = vector.load %arg4[%get3A_17, %get3A_18] : memref<1x128xf32, #tpu.memory_space<vmem>>, vector<1x128xf32>
    %add3A_20 = vector.broadcast %get3A_19 : vector<1x128xf32> to vector<1000x128xf32>
    %add3A_21 = arith.addf %mul3A_16, %add3A_20 : vector<1000x128xf32>
    %max3A = arith.constant 0.000000e+00 : f32
    %max3A_22 = vector.broadcast %max3A : f32 to vector<1000x128xf32>
    %max3A_23 = arith.maximumf %add3A_21, %max3A_22 : vector<1000x128xf32>
    %get3A_24 = arith.constant 0 : index
    %get3A_25 = arith.constant 0 : index
    %get3A_26 = vector.load %arg5[%get3A_24, %get3A_25] : memref<128x128xf32, #tpu.memory_space<vmem>>, vector<128x128xf32>
    %dot_general3A = arith.constant dense<0.000000e+00> : vector<1000x128xf32>
    %dot_general3A_27 = tpu.matmul %max3A_23, %get3A_26, %dot_general3A {dimension_numbers = #tpu.dot_dimension_numbers<[1], [0], [0], [1], [0, 0, 1, 1], [], []>, transpose_lhs_hint = false} : vector<1000x128xf32>, vector<128x128xf32>, vector<1000x128xf32> -> vector<1000x128xf32>
    %mul3A_28 = vector.broadcast %get3A_15 : vector<1000x1xf32> to vector<1000x128xf32>
    %mul3A_29 = arith.mulf %mul3A_28, %dot_general3A_27 : vector<1000x128xf32>
    %swap3A = arith.constant 0 : index
    %swap3A_30 = arith.constant 0 : index
    %swap3A_31 = vector.load %arg6[%swap3A, %swap3A_30] : memref<1000x128xf32, #tpu.memory_space<vmem>>, vector<1000x128xf32>
    tpu.vector_store %arg6[%swap3A, %swap3A_30], %mul3A_29 {strides = array<i32>} : memref<1000x128xf32, #tpu.memory_space<vmem>>, vector<1000x128xf32>,
    return
  }
  func.func @transform_0(%arg0: i32) -> (i32, i32, i32) {
    %c0_i32 = arith.constant 0 : i32
    %c0_i32_0 = arith.constant 0 : i32
    %c0_i32_1 = arith.constant 0 : i32
    return %c0_i32, %arg0, %c0_i32_0 : i32, i32, i32
  }
  func.func @transform_1(%arg0: i32) -> (i32, i32) {
    %c0_i32 = arith.constant 0 : i32
    %c0_i32_0 = arith.constant 0 : i32
    return %arg0, %c0_i32 : i32, i32
  }
  func.func @transform_2(%arg0: i32) -> (i32, i32) {
    %c0_i32 = arith.constant 0 : i32
    %c0_i32_0 = arith.constant 0 : i32
    return %arg0, %c0_i32 : i32, i32
  }
  func.func @transform_3(%arg0: i32) -> (i32, i32) {
    %c0_i32 = arith.constant 0 : i32
    %c0_i32_0 = arith.constant 0 : i32
    %c0_i32_1 = arith.constant 0 : i32
    return %c0_i32, %c0_i32_0 : i32, i32
  }
  func.func @transform_4(%arg0: i32) -> (i32, i32) {
    %c0_i32 = arith.constant 0 : i32
    %c0_i32_0 = arith.constant 0 : i32
    %c0_i32_1 = arith.constant 0 : i32
    return %c0_i32, %c0_i32_0 : i32, i32
  }
  func.func @transform_5(%arg0: i32) -> (i32, i32) {
    %c0_i32 = arith.constant 0 : i32
    %c0_i32_0 = arith.constant 0 : i32
    return %arg0, %c0_i32 : i32, i32
  }
}

module attributes {stable_mosaic.version = 14 : i64} {
  func.func @_fin_body(%arg0: i32, %arg1: memref<2x1000x128xf32, #tpu.memory_space<vmem>>, %arg2: memref<1000x128xf32, #tpu.memory_space<vmem>>, %arg3: memref<1000x1xf32, #tpu.memory_space<vmem>>, %arg4: memref<1x128xf32, #tpu.memory_space<vmem>>, %arg5: memref<1000x128xf32, #tpu.memory_space<vmem>>) attributes {dimension_semantics = [#tpu.dimension_semantics<arbitrary>], iteration_bounds = array<i64: 10>, scalar_prefetch = 0 : i64, scratch_operands = 0 : i64, tpu.core_type = #tpu.core_type<tc>, window_params = [{transform_indices = @transform_0, window_bounds = array<i64: 2, 1000, 128>}, {transform_indices = @transform_1, window_bounds = array<i64: 1000, 128>}, {transform_indices = @transform_2, window_bounds = array<i64: 1000, 1>}, {pipeline_mode = #tpu.pipeline_mode<synchronous>, transform_indices = @transform_3, window_bounds = array<i64: 1, 128>}, {transform_indices = @transform_4, window_bounds = array<i64: 1000, 128>}]} {
    %get3A = arith.constant 0 : index
    %get3A_0 = arith.constant 0 : index
    %get3A_1 = vector.load %arg3[%get3A, %get3A_0] : memref<1000x1xf32, #tpu.memory_space<vmem>>, vector<1000x1xf32>
    %get3A_2 = arith.constant 0 : index
    %get3A_3 = arith.constant 0 : index
    %get3A_4 = arith.constant 0 : index
    %get3A_5 = vector.load %arg1[%get3A_2, %get3A_3, %get3A_4] : memref<2x1000x128xf32, #tpu.memory_space<vmem>>, vector<1x1000x128xf32>
    %get3A_6 = vector.shape_cast %get3A_5 : vector<1x1000x128xf32> to vector<1000x128xf32>
    %get3A_7 = arith.constant 1 : index
    %get3A_8 = arith.constant 0 : index
    %get3A_9 = arith.constant 0 : index
    %get3A_10 = vector.load %arg1[%get3A_7, %get3A_8, %get3A_9] : memref<2x1000x128xf32, #tpu.memory_space<vmem>>, vector<1x1000x128xf32>
    %get3A_11 = vector.shape_cast %get3A_10 : vector<1x1000x128xf32> to vector<1000x128xf32>
    %add3A = arith.addf %get3A_6, %get3A_11 : vector<1000x128xf32>
    %get3A_12 = arith.constant 0 : index
    %get3A_13 = arith.constant 0 : index
    %get3A_14 = vector.load %arg2[%get3A_12, %get3A_13] : memref<1000x128xf32, #tpu.memory_space<vmem>>, vector<1000x128xf32>
    %add3A_15 = arith.addf %add3A, %get3A_14 : vector<1000x128xf32>
    %mul3A = vector.broadcast %get3A_1 : vector<1000x1xf32> to vector<1000x128xf32>
    %mul3A_16 = arith.mulf %mul3A, %add3A_15 : vector<1000x128xf32>
    %get3A_17 = arith.constant 0 : index
    %get3A_18 = arith.constant 0 : index
    %get3A_19 = vector.load %arg4[%get3A_17, %get3A_18] : memref<1x128xf32, #tpu.memory_space<vmem>>, vector<1x128xf32>
    %add3A_20 = vector.broadcast %get3A_19 : vector<1x128xf32> to vector<1000x128xf32>
    %add3A_21 = arith.addf %mul3A_16, %add3A_20 : vector<1000x128xf32>
    %swap3A = arith.constant 0 : index
    %swap3A_22 = arith.constant 0 : index
    %swap3A_23 = vector.load %arg5[%swap3A, %swap3A_22] : memref<1000x128xf32, #tpu.memory_space<vmem>>, vector<1000x128xf32>
    tpu.vector_store %arg5[%swap3A, %swap3A_22], %add3A_21 {strides = array<i32>} : memref<1000x128xf32, #tpu.memory_space<vmem>>, vector<1000x128xf32>,
    return
  }
  func.func @transform_0(%arg0: i32) -> (i32, i32, i32) {
    %c0_i32 = arith.constant 0 : i32
    %c0_i32_0 = arith.constant 0 : i32
    %c0_i32_1 = arith.constant 0 : i32
    return %c0_i32, %arg0, %c0_i32_0 : i32, i32, i32
  }
  func.func @transform_1(%arg0: i32) -> (i32, i32) {
    %c0_i32 = arith.constant 0 : i32
    %c0_i32_0 = arith.constant 0 : i32
    return %arg0, %c0_i32 : i32, i32
  }
  func.func @transform_2(%arg0: i32) -> (i32, i32) {
    %c0_i32 = arith.constant 0 : i32
    %c0_i32_0 = arith.constant 0 : i32
    return %arg0, %c0_i32 : i32, i32
  }
  func.func @transform_3(%arg0: i32) -> (i32, i32) {
    %c0_i32 = arith.constant 0 : i32
    %c0_i32_0 = arith.constant 0 : i32
    %c0_i32_1 = arith.constant 0 : i32
    return %c0_i32, %c0_i32_0 : i32, i32
  }
  func.func @transform_4(%arg0: i32) -> (i32, i32) {
    %c0_i32 = arith.constant 0 : i32
    %c0_i32_0 = arith.constant 0 : i32
    return %arg0, %c0_i32 : i32, i32
  }
}

</mosaic_0001>

<sc_bundles>
// kernel: kernel.11.cloned.1.call-start
scs
__scs_entry_jumppad:
0x0: {  	(pc) =	sbr.rel $0x88, $3  }
0x1: {  	(tag) =	ssettag $0x0;
	lr =	simm.s32 $0x1  }
0x2: {  	[smem:$0x3F9B] =	sst lr;
	_ =	strace $0xD0000000  }
0x3: {  	_ = 	snop  }
0x4: {  	_ = 	snop  }
0x5: {  	_ = 	snop  }
0x6: {  	_ = 	snop  }
0x7: {  	_ = 	snop  }
__scs_overlays_trampoline_lowered:
0x8: {  	[smem:$0x3FAA] =	sst s0  }
0x9: {  	[smem:$0x3FAB] =	sst s1  }
0xa: {  	[smem:$0x3FAC] =	sst s2  }
0xb: {  	[smem:$0x3FAD] =	sst s3  }
0xc: {  	[smem:$0x3FAE] =	sst s4  }
0xd: {  	[smem:$0x3FAF] =	sst s5  }
0xe: {  	[smem:$0x3FB0] =	sst s6  }
0xf: {  	[smem:$0x3FB1] =	sst s7  }
0x10: {  	[smem:$0x3FB2] =	sst s8  }
0x11: {  	[smem:$0x3FB3] =	sst s9;
	s0 =	simm.s32 @!p0 $0x0  }
0x12: {  	s1 =	sld [smem:$0x3F99];
	s0 =	simm.s32 @p0 $0x1  }
0x13: {  	[smem:$0x3FB4] =	sst s0;
	s0 =	simm.s32 @!p1 $0x0  }
0x14: {  	s2 =	sld [smem:$0x3F98];
	s0 =	simm.s32 @p1 $0x1  }
0x15: {  	[smem:$0x3FB5] =	sst s0;
	s0 =	simm.s32 @!p2 $0x0  }
0x16: {  	s3 =	sld [smem:$0x3FDB];
	s0 =	simm.s32 @p2 $0x1  }
0x17: {  	s4 =	simm.s32 $0x1BF5;
	[smem:$0x3FB7] =	sst s0  }
0x18: {  	s0 =	sld [smem:$0x3F9A];
	_ =	swait.ge [sflag:s4], $0x0  }
0x19: {  	s7 =	sld [smem:$0x3F9B]  }
0x1a: {  	s8 =	sadd.s32 $0xFFFFE003, lr  }
0x1b: {  	s9 =	sadd.s32 $0xFFFFFEF7, lr;
	s5 =	simm.s32 $0xFFFFFFFF;
	p2 =	slt.u32 s8, $0xFFFFF086  }
0x1c: {  	p1 =	slt.u32 s9, $0xF7A;
	s5 =	simm.s32 @!p2 $0x0  }
0x1d: {  	s5 =	simm.s32 @p1 $0x1;
	p0 =	seq.s32 s7, s2  }
0x1e: {  	s7 =	smul.u32 @!p0 $0xF7A, s2;
	p2 =	seq.s32 @!p0 s5, $0x0  }
0x1f: {  	s9 =	smul.u32 $0xF7A, s1;
	s8 =	simm.s32 @!p0 $0x1BF5;
	p2 =	por !p2, p0  }
0x20: {  	[sflag:s8] =	ssyncset.s32 @!p0 $0xFFFFF086;
	s6 =	sadd.s32 @!p0 s3, s7;
	s7 =	simm.s32 @!p0 $0x108  }
0x21: {  	s3 =	sadd.s32 s3, s9;
	s6 =	sadd.s32 @!p0 $0x88, s6;
	s7 =	simm.s32 @p2 $0x1082  }
0x22: {  	[simem:s7], [sflag:s8] =	dma.local @!p0 [hbm:s6], $0xF7A  }
0x23: {  	s9 =	sor.u32 $0xD0000000, s2;
	s6 =	simm.s32 $0x108;
	_ =	swait.ge @!p0 [sflag:s8], $0x0  }
0x24: {  	s3 =	sadd.s32 $0x88, s3;
	s6 =	simm.s32 @!p1 $0x1082;
	[sflag:s4] =	ssyncset.s32 $0xFFFFF086  }
0x25: {  	[simem:s6], [sflag:s4] =	dma.local [hbm:s3], $0xF7A  }
0x26: {  	[smem:$0x3F9B] =	sst s1;
	(tag) =	ssettag s2;
	_ =	strace s9  }
0x27: {  	s1 =	sld [smem:$0x3FAB]  }
0x28: {  	s2 =	sld [smem:$0x3FAC]  }
0x29: {  	s4 =	sld [smem:$0x3FAE]  }
0x2a: {  	p0 =	seq.s32 s5, $0x0;
	s5 =	sld [smem:$0x3FAF]  }
0x2b: {  	s6 =	sld [smem:$0x3FB0]  }
0x2c: {  	s7 =	sld [smem:$0x3FB1]  }
0x2d: {  	s3 =	simm.s32 $0x108;
	s8 =	sld [smem:$0x3FB2]  }
0x2e: {  	s3 =	simm.s32 @!p0 $0x1082;
	s9 =	sld [smem:$0x3FB3]  }
0x2f: {  	lr =	sadd.s32 s0, s3;
	s0 =	sld [smem:$0x3FAA]  }
0x30: {  	s3 =	sld [smem:$0x3FAD]  }
0x31: {  	[smem:$0x3FB6] =	sst s10  }
0x32: {  	s10 =	sld [smem:$0x3FB4];
	_ =	sdelay $0x3  }
0x33: {  	p0 =	seq.s32 s10, $0x1;
	s10 =	sld [smem:$0x3FB6];
	_ =	sdelay $0x3  }
0x34: {  	[smem:$0x3FB6] =	sst s10  }
0x35: {  	s10 =	sld [smem:$0x3FB5];
	_ =	sdelay $0x3  }
0x36: {  	p1 =	seq.s32 s10, $0x1;
	s10 =	sld [smem:$0x3FB6];
	_ =	sdelay $0x3  }
0x37: {  	[smem:$0x3FB6] =	sst s10  }
0x38: {  	s10 =	sld [smem:$0x3FB7]  }
0x39: {  	_ = 	snop;
	(pc) =	sbr.ind lr, $3  }
0x3a: {  	_ = 	snop  }
0x3b: {  	_ = 	snop  }
0x3c: {  	p2 =	seq.s32 s10, $0x1;
	s10 =	sld [smem:$0x3FB6]  }
0x3d: {  	_ =	shalt  }
0x3e: {  	_ =	shalt  }
0x3f: {  	_ =	shalt  }
0x40: {  	_ =	shalt  }
0x41: {  	_ =	shalt  }
0x42: {  	_ =	shalt  }
0x43: {  	_ =	shalt  }
0x44: {  	_ =	shalt  }
0x45: {  	_ =	shalt  }
0x46: {  	_ =	shalt  }
0x47: {  	_ =	shalt  }
0x48: {  	_ =	shalt  }
0x49: {  	_ =	shalt  }
0x4a: {  	_ =	shalt  }
0x4b: {  	_ =	shalt  }
0x4c: {  	_ =	shalt  }
0x4d: {  	_ =	shalt  }
0x4e: {  	_ =	shalt  }
0x4f: {  	_ =	shalt  }
0x50: {  	_ =	shalt  }
0x51: {  	_ =	shalt  }
0x52: {  	_ =	shalt  }
0x53: {  	_ =	shalt  }
0x54: {  	_ =	shalt  }
0x55: {  	_ =	shalt  }
0x56: {  	_ =	shalt  }
0x57: {  	_ =	shalt  }
0x58: {  	_ =	shalt  }
0x59: {  	_ =	shalt  }
0x5a: {  	_ =	shalt  }
0x5b: {  	_ =	shalt  }
0x5c: {  	_ =	shalt  }
0x5d: {  	_ =	shalt  }
0x5e: {  	_ =	shalt  }
0x5f: {  	_ =	shalt  }
0x60: {  	_ =	shalt  }
0x61: {  	_ =	shalt  }
0x62: {  	_ =	shalt  }
0x63: {  	_ =	shalt  }
0x64: {  	_ =	shalt  }
0x65: {  	_ =	shalt  }
0x66: {  	_ =	shalt  }
0x67: {  	_ =	shalt  }
0x68: {  	_ =	shalt  }
0x69: {  	_ =	shalt  }
0x6a: {  	_ =	shalt  }
0x6b: {  	_ =	shalt  }
0x6c: {  	_ =	shalt  }
0x6d: {  	_ =	shalt  }
0x6e: {  	_ =	shalt  }
0x6f: {  	_ =	shalt  }
0x70: {  	_ =	shalt  }
0x71: {  	_ =	shalt  }
0x72: {  	_ =	shalt  }
0x73: {  	_ =	shalt  }
0x74: {  	_ =	shalt  }
0x75: {  	_ =	shalt  }
0x76: {  	_ =	shalt  }
0x77: {  	_ =	shalt  }
0x78: {  	_ =	shalt  }
0x79: {  	_ =	shalt  }
0x7a: {  	_ =	shalt  }
0x7b: {  	_ =	shalt  }
0x7c: {  	_ =	shalt  }
0x7d: {  	_ =	shalt  }
0x7e: {  	_ =	shalt  }
0x7f: {  	_ =	shalt  }
0x80: {  	_ =	shalt  }
0x81: {  	_ =	shalt  }
0x82: {  	_ =	shalt  }
0x83: {  	_ =	shalt  }
0x84: {  	_ =	shalt  }
0x85: {  	_ =	shalt  }
0x86: {  	_ =	shalt  }
0x87: {  	_ =	shalt  }
.Lfunc_end0:
.L_simem_size_0:
called_computation.1_lowered:
.L_overlay_start_0:
0x88: {  	s2 =	sld [smem:$0x3FD9]  }
0x89: {  	s3 =	sld [smem:$0x3FFE];
	_ =	sdelay $0x1  }
0x8a: {  	s1 =	srdreg.scid  }
0x8b: {  	s0 =	sand.u32 $0x1, s1  }
0x8c: {  	s17 =	sshll.u32 s0, $0xA;
	s2 =	sadd.s32 s3, s2  }
0x8d: {  	s2 =	sadd.s32 s2, s17  }
0x8e: {  	[smem:$0x3FC2] =	sst s2  }
0x8f: {  	_ = 	snop  }
0x90: {  	s2 =	sld [smem:$0x3FD0];
	(tm) =	ssettm $0x1  }
0x91: {  	s18 =	sld [smem:$0x3FFB];
	_ =	sdelay $0x3  }
0x92: {  	_ =	strace s18  }
0x93: {  	s3 =	sld [smem:$0x3FFC];
	_ =	sdelay $0x3  }
0x94: {  	_ =	strace s3  }
0x95: {  	s3 =	sld [smem:$0x3FFD];
	_ =	sdelay $0x3  }
0x96: {  	_ =	strace s3  }
0x97: {  	_ =	strace $0x8FFFFFFF  }
0x98: {  	s19 =	sld [smem:$0x3FDB];
	_ =	sdelay $0x1  }
0x99: {  	s4 =	simm.s32 $_scs_section_size  }
0x9a: {  	s5 =	simm.s32 $_size__tile_overlayer_lowered;
	s6 =	simm.s32 $_tile_overlayer_lowered  }
0x9b: {  	s22 =	simm.s32 $0x1BFF;
	s21 =	sshll.u32 s6, $0x1;
	s3 =	sadd.s32 s4, s19  }
0x9c: {  	s7 =	simm.s32 $0x0;
	s20 =	sshll.u32 s5, $0x1;
	s5 =	sadd.s32 s21, s3  }
0x9d: {  	[timem:s7], [sflag:s22] =	dma.local [hbm:s5], s20  }
0x9e: {  	_ =	swait.ge [sflag:s22], s20  }
0x9f: {  	s4 =	ssub.s32 $0x0, s20;
	[sflag:s22] =	ssyncset.done $0x0  }
0xa0: {  	[sflag:s22] =	ssyncadd.s32 s4;
	_ =	sdelay $0x1  }
0xa1: {  	s23 =	simm.s32 $0x1B8B  }
0xa2: {  	_ =	swait.ge [sflag:s23], $0x1  }
0xa3: {  	[sflag:s23] =	ssyncset.done $0x0  }
0xa4: {  	s25 =	simm.s32 $0x1B8E;
	s24 =	sld [smem:$0x3FFE];
	[sflag:s23] =	ssyncadd.s32 $0xFFFFFFFF  }
0xa5: {  	s26 =	simm.s32 $execute0_lowered;
	[smem:$0x3FD2] =	sst s25  }
0xa6: {  	s5 =	sshll.u32 s26, $0x1;
	_ =	strace $0x80000049;
	[dreg:$0x1] =	wrdreg $0xFFFFFFFF  }
0xa7: {  	s28 =	simm.s32 $_size_execute0_lowered;
	s3 =	sadd.s32 s3, s5;
	[dreg:$0x0] =	wrdreg $0x0  }
0xa8: {  	s5 =	sshll.u32 s28, $0x1;
	[dreg:$0x2] =	wrdreg s3  }
0xa9: {  	[dreg:$0x3] =	wrdreg s5  }
0xaa: {  	[dreg:$0x4] =	wrdreg $0xC0  }
0xab: {  	_ =	task [dreg:s7], $0x5FFFF  }
0xac: {  	[dreg:$0x1] =	wrdreg $0xFFFFFFFF  }
0xad: {  	[dreg:$0x0] =	wrdreg $0x60  }
0xae: {  	[dreg:$0x2] =	wrdreg s2  }
0xaf: {  	[dreg:$0x3] =	wrdreg s24  }
0xb0: {  	[dreg:$0x4] =	wrdreg $0xA8000  }
0xb1: {  	[dreg:$0x5] =	wrdreg $0x9  }
0xb2: {  	_ =	task.clear_ibuf [dreg:s7], $0x6FFFF;
	_ =	strace $0x90000049  }
0xb3: {  	s29 =	simm.s32 $0x9;
	_ =	strace $0x8000004B  }
0xb4: {  	_ =	swait.ge [sflag:s29], $0x1  }
0xb5: {  	[sflag:s29] =	ssyncadd.s32 $0xFFFFFFFF  }
0xb6: {  	_ =	strace $0x9000004B  }
0xb7: {  	_ =	sfence  }
0xb8: {  	s30 =	sld [smem:$0x0];
	_ =	sdelay $0x2  }
0xb9: {  	s31 =	sshll.u32 s1, $0xD;
	s1 =	sshrl.u32 s1, $0x2  }
0xba: {  	s3 =	sand.u32 $0x4000, s31;
	s1 =	sadd.s32 s1, s30  }
0xbb: {  	s0 =	sor.u32 s3, s0;
	s1 =	sshll.u32 s1, $0x11  }
0xbc: {  	s0 =	sor.u32 s1, s0  }
0xbd: {  	s0 =	sadd.s32 $0x8F2B, s0  }
0xbe: {  	[sflag:s0] =	ssyncadd.remote.s32 $0x1  }
0xbf: {  	_ =	sfence.sel $0xFFFF  }
0xc0: {  	[dreg:$0x0] =	wrdreg $0xFFFFFFFF;
	(pc) =	sbr.abs _section_cstart, $3  }
0xc1: {  	[dreg:$0x1] =	wrdreg $0xFFFFFFFF  }
0xc2: {  	_ =	task.clear_ibuf [dreg:s7], $0x2FFFF;
	_ =	strace $0x9FFFFFFF  }
0xc3: {  	(tm) =	ssettm $0x7FFFFFFF  }
tec
execute0_lowered:
.L_overlay_start_1:
0x0: {  	(tag) =	ssettag $0x1  }
0x1: {  	s1 =	rddreg [dreg:$0x0]  }
0x2: {  	s5 =	rddreg [dreg:$0x1]  }
0x3: {  	s2 =	rddreg [dreg:$0x2]  }
0x4: {  	s3 =	srdreg.scid;
	s0 =	rddreg [dreg:$0x3];
	s4 =	simm.s32 $0x0  }
0x5: {  	s17 =	simm.s32 $0x2;
	s18 =	simm.s32 $0x1400;
	s19 =	simm.s32 $0x100  }
0x6: {  	s20 =	simm.s32 $0x1;
	s21 =	simm.s32 $0x80;
	s6 =	sand.u32 $0x1, s3  }
0x7: {  	s22 =	simm.s32 $0x6800;
	s3 =	stileid.u32;
	s7 =	smul.u32 $0x140000, s6  }
0x8: {  	[smem:$0x7FF] =	sst s4;
	s15 =	sadd.s32 $0xC600, s5;
	s8 =	smul.u32 $0x14000, s3  }
0x9: {  	s14 =	sadd.s32 $0x2600, s5;
	_ =	strace $0x8000004A;
	s26 =	smul.u32 $0x50000, s3  }
0xa: {  	s9 =	ssub.s32 $0x2, s6;
	s30 =	sshll.u32 s6, $0x5;
	s11 =	sshll.u32 s3, $0x1  }
0xb: {  	s28 =	sshrl.u32 s9, $0x1;
	s31 =	sor.u32 s11, s30;
	s7 =	sadd.s32 s8, s7  }
0xc: {  	s12 =	ssub.s32 s9, s28;
	s16 =	smul.u32 $0x280, s31;
	s7 =	sshrl.u32 s7, $0x3  }
0xd: {  	s29 =	sshrl.u32 s26, $0x2;
	s11 =	smax.u32 s12, $0x1;
	s10 =	sadd.s32 s7, s5  }
0xe: {  	s5 =	sadd.s32 s29, s2;
	s12 =	sadd.s32 s14, s16;
	s13 =	sadd.s32 s15, s16  }
0xf: {  	s16 =	sadd.s32 $0x280, s16;
	s6 =	sadd.s32 $0x4000, s5;
	s7 =	sadd.s32 $0x8000, s5  }
0x10: {  	s8 =	sadd.s32 $0xC000, s5;
	s9 =	sadd.s32 $0x10000, s5;
	s10 =	sadd.s32 $0x16600, s10  }
0x11: {  	v0 =	vimm.f32 $0.0e+00;
	s14 =	sadd.s32 s14, s16;
	s15 =	sadd.s32 s15, s16;
	s16 =	simm.s32 $0x2800  }
.LBB2_1:
0x12: {  	s23 =	simm.s32 $0x0;
	s24 =	simm.s32 $0x200  }
.LBB2_2:
0x13: {  	p0 =	sne.s32 s24, $0xFE00;
	[tilespmem:s23+$0x2870] =	vst v0  }
0x14: {  	[tilespmem:s23+$0x2800] =	vst v0  }
0x15: {  	[tilespmem:s23+$0x2810] =	vst v0  }
.Ltmp0:
0x16: {  	[tilespmem:s23+$0x2820] =	vst v0;
	(pc) =	sbr.rel @p0 .LBB2_2-.Ltmp0, $4  }
0x17: {  	[tilespmem:s23+$0x2830] =	vst v0  }
0x18: {  	[tilespmem:s23+$0x2840] =	vst v0  }
0x19: {  	[tilespmem:s23+$0x2850] =	vst v0  }
0x1a: {  	[tilespmem:s23+$0x2860] =	vst v0;
	s23 =	sshra.s32 s24, $0x2;
	s24 =	sadd.s32 $0x200, s24  }
0x1b: {  	[tilespmem:s23+$0x2870] =	vst v0  }
0x1c: {  	[tilespmem:s23+$0x2800] =	vst v0  }
0x1d: {  	[tilespmem:s23+$0x2810] =	vst v0  }
0x1e: {  	[tilespmem:s23+$0x2820] =	vst v0  }
0x1f: {  	[tilespmem:s23+$0x2830] =	vst v0  }
0x20: {  	[tilespmem:s23+$0x2840] =	vst v0  }
0x21: {  	[tilespmem:s23+$0x2850] =	vst v0  }
0x22: {  	[tilespmem:s23+$0x2860] =	vst v0  }
0x23: {  	[spmem:s5] =	stream.linear.scatter [tilespmem:s16], [sflag:$0x2], $0x4000, $0x38;
	[tilespmem:$0x1E800] =	vst v63  }
0x24: {  	_ =	swait.ge [sflag:s17], $0x4000  }
0x25: {  	[sflag:s17] =	ssyncset.done $0x0  }
0x26: {  	[sflag:s17] =	ssyncadd.s32 $0xFFFFC000  }
0x27: {  	[spmem:s6] =	stream.linear.scatter [tilespmem:s16], [sflag:$0x2], $0x4000, $0x38;
	[tilespmem:$0x1E800] =	vst v63  }
0x28: {  	_ =	swait.ge [sflag:s17], $0x4000  }
0x29: {  	[sflag:s17] =	ssyncset.done $0x0  }
0x2a: {  	[sflag:s17] =	ssyncadd.s32 $0xFFFFC000  }
0x2b: {  	[spmem:s7] =	stream.linear.scatter [tilespmem:s16], [sflag:$0x2], $0x4000, $0x38;
	[tilespmem:$0x1E800] =	vst v63  }
0x2c: {  	_ =	swait.ge [sflag:s17], $0x4000  }
0x2d: {  	[sflag:s17] =	ssyncset.done $0x0  }
0x2e: {  	[sflag:s17] =	ssyncadd.s32 $0xFFFFC000  }
0x2f: {  	[spmem:s8] =	stream.linear.scatter [tilespmem:s16], [sflag:$0x2], $0x4000, $0x38;
	[tilespmem:$0x1E800] =	vst v63  }
0x30: {  	_ =	swait.ge [sflag:s17], $0x4000  }
0x31: {  	[sflag:s17] =	ssyncset.done $0x0  }
0x32: {  	[sflag:s17] =	ssyncadd.s32 $0xFFFFC000  }
0x33: {  	[spmem:s9] =	stream.linear.scatter [tilespmem:s16], [sflag:$0x2], $0x4000, $0x38;
	[tilespmem:$0x1E800] =	vst v63  }
0x34: {  	_ =	swait.ge [sflag:s17], $0x4000  }
0x35: {  	[sflag:s17] =	ssyncset.done $0x0  }
0x36: {  	[sflag:s17] =	ssyncadd.s32 $0xFFFFC000  }
0x37: {  	s28 =	simm.s32 $0x0;
	[bflag:$0x0] =	sbarrier.arrive $0xFFFF  }
0x38: {  	[tilespmem:s18], [sflag:$0x2] =	stream.linear.gather [hbm4b:s12+s28], $0x1400, $0x38;
	[tilespmem:$0x1E800] =	vst v63  }
0x39: {  	_ =	swait.ge [sflag:s17], $0x1400  }
0x3a: {  	[sflag:s17] =	ssyncset.done $0x0  }
0x3b: {  	[sflag:s17] =	ssyncadd.s32 $0xFFFFEC00  }
0x3c: {  	[tilespmem:s28], [sflag:$0x2] =	stream.linear.gather [hbm4b:s13+s28], $0x1400, $0x38;
	[tilespmem:$0x1E800] =	vst v63  }
0x3d: {  	_ =	swait.ge [sflag:s17], $0x1400  }
0x3e: {  	[sflag:s17] =	ssyncset.done $0x0  }
0x3f: {  	s29 =	simm.s32 $0x0;
	[sflag:s17] =	ssyncadd.s32 $0xFFFFEC00  }
0x40: {  	[tilespmem:s16], [sflag:$0x1] =	stream.indirect.gather [hbm4b:s1+s19], $0x80, s29, s19, $0xb8;
	[tilespmem:$0x1E800] =	vst v63  }
0x41: {  	_ =	swait.ge [sflag:s20], $0x8000  }
0x42: {  	[sflag:s20] =	ssyncset.done $0x0  }
0x43: {  	s30 =	simm.s32 $0x1400;
	[sflag:s20] =	ssyncadd.s32 $0xFFFF8000  }
0x44: {  	[spmem:s2] =	stream.indirect.scatter.add.f32 [tilespmem:s16], [sflag:$0x2], $0x80, s30, s21, $0xb8;
	[tilespmem:$0x1E800] =	vst v63  }
0x45: {  	_ =	swait.ge [sflag:s17], $0x4000  }
0x46: {  	[sflag:s17] =	ssyncset.done $0x0  }
0x47: {  	s31 =	simm.s32 $0x1480;
	[sflag:s17] =	ssyncadd.s32 $0xFFFFC000  }
0x48: {  	[spmem:s2] =	stream.indirect.scatter.add.f32 [tilespmem:s22], [sflag:$0x2], $0x80, s31, s21, $0xb8;
	[tilespmem:$0x1E800] =	vst v63  }
0x49: {  	_ =	swait.ge [sflag:s17], $0x4000  }
0x4a: {  	s23 =	simm.s32 $0x400;
	s24 =	simm.s32 $0x800;
	[sflag:s17] =	ssyncset.done $0x0  }
.LBB2_4:
0x4b: {  	s25 =	sshra.s32 s23, $0x2  }
0x4c: {  	[sflag:s17] =	ssyncadd.s32 $0xFFFFC000;
	s23 =	smov.u32 s24;
	s26 =	sadd.s32 $0x400, s24  }
0x4d: {  	[tilespmem:s16], [sflag:$0x1] =	stream.indirect.gather [hbm4b:s1+s19], $0x80, s25, s19, $0xb8;
	[tilespmem:$0x1E800] =	vst v63  }
0x4e: {  	p0 =	sne.s32 s24, $0x4C00;
	_ =	swait.ge [sflag:s20], $0x8000  }
0x4f: {  	[sflag:s20] =	ssyncset.done $0x0  }
0x50: {  	s24 =	sadd.s32 $0x1400, s25;
	[sflag:s20] =	ssyncadd.s32 $0xFFFF8000  }
0x51: {  	[spmem:s2] =	stream.indirect.scatter.add.f32 [tilespmem:s16], [sflag:$0x2], $0x80, s24, s21, $0xb8;
	[tilespmem:$0x1E800] =	vst v63  }
0x52: {  	_ =	swait.ge [sflag:s17], $0x4000  }
.Ltmp1:
0x53: {  	[sflag:s17] =	ssyncset.done $0x0;
	(pc) =	sbr.rel @p0 .LBB2_4-.Ltmp1, $4  }
0x54: {  	s24 =	sadd.s32 $0x1480, s25;
	[sflag:s17] =	ssyncadd.s32 $0xFFFFC000  }
0x55: {  	[spmem:s2] =	stream.indirect.scatter.add.f32 [tilespmem:s22], [sflag:$0x2], $0x80, s24, s21, $0xb8;
	[tilespmem:$0x1E800] =	vst v63  }
0x56: {  	_ =	swait.ge [sflag:s17], $0x4000  }
0x57: {  	s24 =	smov.u32 s26;
	[sflag:s17] =	ssyncset.done $0x0  }
0x58: {  	s23 =	sshra.s32 s23, $0x2;
	[sflag:s17] =	ssyncadd.s32 $0xFFFFC000  }
0x59: {  	[tilespmem:s16], [sflag:$0x1] =	stream.indirect.gather [hbm4b:s1+s19], $0x80, s23, s19, $0xb8;
	[tilespmem:$0x1E800] =	vst v63  }
0x5a: {  	_ =	swait.ge [sflag:s20], $0x8000  }
0x5b: {  	[sflag:s20] =	ssyncset.done $0x0  }
0x5c: {  	s24 =	sadd.s32 $0x1400, s23;
	[sflag:s20] =	ssyncadd.s32 $0xFFFF8000  }
0x5d: {  	[spmem:s2] =	stream.indirect.scatter.add.f32 [tilespmem:s16], [sflag:$0x2], $0x80, s24, s21, $0xb8;
	[tilespmem:$0x1E800] =	vst v63  }
0x5e: {  	_ =	swait.ge [sflag:s17], $0x4000  }
0x5f: {  	[sflag:s17] =	ssyncset.done $0x0  }
0x60: {  	s23 =	sadd.s32 $0x1480, s23;
	[sflag:s17] =	ssyncadd.s32 $0xFFFFC000  }
0x61: {  	[spmem:s2] =	stream.indirect.scatter.add.f32 [tilespmem:s22], [sflag:$0x2], $0x80, s23, s21, $0xb8;
	[tilespmem:$0x1E800] =	vst v63  }
0x62: {  	_ =	swait.ge [sflag:s17], $0x4000  }
0x63: {  	[sflag:s17] =	ssyncset.done $0x0  }
0x64: {  	s28 =	simm.s32 $0x0;
	[sflag:s17] =	ssyncadd.s32 $0xFFFFC000  }
0x65: {  	[tilespmem:s18], [sflag:$0x2] =	stream.linear.gather [hbm4b:s14+s28], $0x1400, $0x38;
	[tilespmem:$0x1E800] =	vst v63  }
0x66: {  	_ =	swait.ge [sflag:s17], $0x1400  }
0x67: {  	[sflag:s17] =	ssyncset.done $0x0  }
0x68: {  	[sflag:s17] =	ssyncadd.s32 $0xFFFFEC00  }
0x69: {  	[tilespmem:s28], [sflag:$0x2] =	stream.linear.gather [hbm4b:s15+s28], $0x1400, $0x38;
	[tilespmem:$0x1E800] =	vst v63  }
0x6a: {  	_ =	swait.ge [sflag:s17], $0x1400  }
0x6b: {  	[sflag:s17] =	ssyncset.done $0x0  }
0x6c: {  	s29 =	simm.s32 $0x0;
	[sflag:s17] =	ssyncadd.s32 $0xFFFFEC00  }
0x6d: {  	[tilespmem:s16], [sflag:$0x1] =	stream.indirect.gather [hbm4b:s1+s19], $0x80, s29, s19, $0xb8;
	[tilespmem:$0x1E800] =	vst v63  }
0x6e: {  	_ =	swait.ge [sflag:s20], $0x8000  }
0x6f: {  	[sflag:s20] =	ssyncset.done $0x0  }
0x70: {  	s30 =	simm.s32 $0x1400;
	[sflag:s20] =	ssyncadd.s32 $0xFFFF8000  }
0x71: {  	[spmem:s2] =	stream.indirect.scatter.add.f32 [tilespmem:s16], [sflag:$0x2], $0x80, s30, s21, $0xb8;
	[tilespmem:$0x1E800] =	vst v63  }
0x72: {  	_ =	swait.ge [sflag:s17], $0x4000  }
0x73: {  	[sflag:s17] =	ssyncset.done $0x0  }
0x74: {  	s31 =	simm.s32 $0x1480;
	[sflag:s17] =	ssyncadd.s32 $0xFFFFC000  }
0x75: {  	[spmem:s2] =	stream.indirect.scatter.add.f32 [tilespmem:s22], [sflag:$0x2], $0x80, s31, s21, $0xb8;
	[tilespmem:$0x1E800] =	vst v63  }
0x76: {  	_ =	swait.ge [sflag:s17], $0x4000  }
0x77: {  	s24 =	simm.s32 $0x800;
	s23 =	simm.s32 $0x400;
	[sflag:s17] =	ssyncset.done $0x0  }
.LBB2_6:
0x78: {  	s25 =	sshra.s32 s23, $0x2  }
0x79: {  	[sflag:s17] =	ssyncadd.s32 $0xFFFFC000;
	s23 =	smov.u32 s24;
	s26 =	sadd.s32 $0x400, s24  }
0x7a: {  	[tilespmem:s16], [sflag:$0x1] =	stream.indirect.gather [hbm4b:s1+s19], $0x80, s25, s19, $0xb8;
	[tilespmem:$0x1E800] =	vst v63  }
0x7b: {  	p0 =	sne.s32 s24, $0x4C00;
	_ =	swait.ge [sflag:s20], $0x8000  }
0x7c: {  	[sflag:s20] =	ssyncset.done $0x0  }
0x7d: {  	s24 =	sadd.s32 $0x1400, s25;
	[sflag:s20] =	ssyncadd.s32 $0xFFFF8000  }
0x7e: {  	[spmem:s2] =	stream.indirect.scatter.add.f32 [tilespmem:s16], [sflag:$0x2], $0x80, s24, s21, $0xb8;
	[tilespmem:$0x1E800] =	vst v63  }
0x7f: {  	_ =	swait.ge [sflag:s17], $0x4000  }
.Ltmp2:
0x80: {  	[sflag:s17] =	ssyncset.done $0x0;
	(pc) =	sbr.rel @p0 .LBB2_6-.Ltmp2, $4  }
0x81: {  	s24 =	sadd.s32 $0x1480, s25;
	[sflag:s17] =	ssyncadd.s32 $0xFFFFC000  }
0x82: {  	[spmem:s2] =	stream.indirect.scatter.add.f32 [tilespmem:s22], [sflag:$0x2], $0x80, s24, s21, $0xb8;
	[tilespmem:$0x1E800] =	vst v63  }
0x83: {  	_ =	swait.ge [sflag:s17], $0x4000  }
0x84: {  	s24 =	smov.u32 s26;
	[sflag:s17] =	ssyncset.done $0x0  }
0x85: {  	s23 =	sshra.s32 s23, $0x2;
	[sflag:s17] =	ssyncadd.s32 $0xFFFFC000  }
0x86: {  	[tilespmem:s16], [sflag:$0x1] =	stream.indirect.gather [hbm4b:s1+s19], $0x80, s23, s19, $0xb8;
	[tilespmem:$0x1E800] =	vst v63  }
0x87: {  	_ =	swait.ge [sflag:s20], $0x8000  }
0x88: {  	[sflag:s20] =	ssyncset.done $0x0  }
0x89: {  	s24 =	sadd.s32 $0x1400, s23;
	[sflag:s20] =	ssyncadd.s32 $0xFFFF8000  }
0x8a: {  	[spmem:s2] =	stream.indirect.scatter.add.f32 [tilespmem:s16], [sflag:$0x2], $0x80, s24, s21, $0xb8;
	[tilespmem:$0x1E800] =	vst v63  }
0x8b: {  	_ =	swait.ge [sflag:s17], $0x4000  }
0x8c: {  	[sflag:s17] =	ssyncset.done $0x0  }
0x8d: {  	s23 =	sadd.s32 $0x1480, s23;
	[sflag:s17] =	ssyncadd.s32 $0xFFFFC000  }
0x8e: {  	[spmem:s2] =	stream.indirect.scatter.add.f32 [tilespmem:s22], [sflag:$0x2], $0x80, s23, s21, $0xb8;
	[tilespmem:$0x1E800] =	vst v63  }
0x8f: {  	_ =	swait.ge [sflag:s17], $0x4000  }
0x90: {  	s30 =	sshll.u32 s3, $0x6;
	s4 =	sadd.s32 $0x1, s4;
	[sflag:s17] =	ssyncset.done $0x0  }
0x91: {  	s31 =	sshrl.u32 s5, $0x3;
	p0 =	sne.s32 s4, s11;
	[sflag:s17] =	ssyncadd.s32 $0xFFFFC000  }
.Ltmp3:
0x92: {  	s23 =	sor.u32 $0x1C02, s30;
	[bflag:$0x0] =	sbarrier.arrive $0xFFFF;
	(pc) =	sbr.rel @p0 .LBB2_1-.Ltmp3, $4  }
0x93: {  	[hbm:s10], [sflag:s23] =	dma.local [spmem:s31], $0x2800  }
0x94: {  	_ =	swait.ge [sflag:s17], $0x2800  }
0x95: {  	[sflag:s17] =	ssyncset.done $0x0  }
0x96: {  	[sflag:s17] =	ssyncadd.s32 $0xFFFFD800  }
0x97: {  	_ =	sfence.sel $0x180000  }
0x98: {  	[bflag:$0x0] =	sbarrier.arrive $0xFFFF  }
0x99: {  	p0 =	sne.s32 s3, $0x0;
	_ =	strace $0x9000004A  }
0x9a: {  	s0 =	sadd.s32 @!p0 $0x100000, s0;
	[bflag:$0x2] =	sbarrier.arrive $0xFFFF  }
0x9b: {  	[sflag:s0] =	ssyncadd.tile.s32 @!p0 $0x1;
	_ =	shalt  }
.Lfunc_end2:
_tile_overlayer_lowered:
.L_overlay_start_2:
0x9c: {  	(tag) =	ssettag $0x2  }
0x9d: {  	s0 =	rddreg [dreg:$0x0];
	s2 =	stileid.u32  }
0x9e: {  	s1 =	rddreg [dreg:$0x1];
	p0 =	sne.s32 s2, $0x0  }
0x9f: {  	s3 =	rddreg [dreg:$0x2];
	[bflag:$0x3] =	sbarrier.arrive $0xFFFF;
	s2 =	simm.s32 @!p0 $0x1C02  }
0xa0: {  	[timem:s3], [sflag:s2] =	dma.local @!p0 [hbm:s0], s1  }
0xa1: {  	s0 =	simm.s32 @!p0 $0x2  }
0xa2: {  	_ =	swait.ge @!p0 [sflag:s0], s1  }
0xa3: {  	s1 =	ssub.s32 @!p0 $0x0, s1;
	[sflag:s0] =	ssyncset.done @!p0 $0x0  }
0xa4: {  	[sflag:s0] =	ssyncadd.s32 @!p0 s1  }
0xa5: {  	[bflag:$0x3] =	sbarrier.arrive $0xFFFF  }
0xa6: {  	_ =	shalt  }

// kernel: kernel.14.cloned.1.call-start
scs
__scs_entry_jumppad:
0x0: {  	(pc) =	sbr.rel $0x88, $3  }
0x1: {  	(tag) =	ssettag $0x0;
	lr =	simm.s32 $0x1  }
0x2: {  	[smem:$0x3F9B] =	sst lr;
	_ =	strace $0xD0000000  }
0x3: {  	_ = 	snop  }
0x4: {  	_ = 	snop  }
0x5: {  	_ = 	snop  }
0x6: {  	_ = 	snop  }
0x7: {  	_ = 	snop  }
__scs_overlays_trampoline_lowered:
0x8: {  	[smem:$0x3FAA] =	sst s0  }
0x9: {  	[smem:$0x3FAB] =	sst s1  }
0xa: {  	[smem:$0x3FAC] =	sst s2  }
0xb: {  	[smem:$0x3FAD] =	sst s3  }
0xc: {  	[smem:$0x3FAE] =	sst s4  }
0xd: {  	[smem:$0x3FAF] =	sst s5  }
0xe: {  	[smem:$0x3FB0] =	sst s6  }
0xf: {  	[smem:$0x3FB1] =	sst s7  }
0x10: {  	[smem:$0x3FB2] =	sst s8  }
0x11: {  	[smem:$0x3FB3] =	sst s9;
	s0 =	simm.s32 @!p0 $0x0  }
0x12: {  	s1 =	sld [smem:$0x3F99];
	s0 =	simm.s32 @p0 $0x1  }
0x13: {  	[smem:$0x3FB4] =	sst s0;
	s0 =	simm.s32 @!p1 $0x0  }
0x14: {  	s2 =	sld [smem:$0x3F98];
	s0 =	simm.s32 @p1 $0x1  }
0x15: {  	[smem:$0x3FB5] =	sst s0;
	s0 =	simm.s32 @!p2 $0x0  }
0x16: {  	s3 =	sld [smem:$0x3FDB];
	s0 =	simm.s32 @p2 $0x1  }
0x17: {  	s4 =	simm.s32 $0x1BF5;
	[smem:$0x3FB7] =	sst s0  }
0x18: {  	s0 =	sld [smem:$0x3F9A];
	_ =	swait.ge [sflag:s4], $0x0  }
0x19: {  	s7 =	sld [smem:$0x3F9B]  }
0x1a: {  	s8 =	sadd.s32 $0xFFFFE003, lr  }
0x1b: {  	s9 =	sadd.s32 $0xFFFFFEF7, lr;
	s5 =	simm.s32 $0xFFFFFFFF;
	p2 =	slt.u32 s8, $0xFFFFF086  }
0x1c: {  	p1 =	slt.u32 s9, $0xF7A;
	s5 =	simm.s32 @!p2 $0x0  }
0x1d: {  	s5 =	simm.s32 @p1 $0x1;
	p0 =	seq.s32 s7, s2  }
0x1e: {  	s7 =	smul.u32 @!p0 $0xF7A, s2;
	p2 =	seq.s32 @!p0 s5, $0x0  }
0x1f: {  	s9 =	smul.u32 $0xF7A, s1;
	s8 =	simm.s32 @!p0 $0x1BF5;
	p2 =	por !p2, p0  }
0x20: {  	[sflag:s8] =	ssyncset.s32 @!p0 $0xFFFFF086;
	s6 =	sadd.s32 @!p0 s3, s7;
	s7 =	simm.s32 @!p0 $0x108  }
0x21: {  	s3 =	sadd.s32 s3, s9;
	s6 =	sadd.s32 @!p0 $0x88, s6;
	s7 =	simm.s32 @p2 $0x1082  }
0x22: {  	[simem:s7], [sflag:s8] =	dma.local @!p0 [hbm:s6], $0xF7A  }
0x23: {  	s9 =	sor.u32 $0xD0000000, s2;
	s6 =	simm.s32 $0x108;
	_ =	swait.ge @!p0 [sflag:s8], $0x0  }
0x24: {  	s3 =	sadd.s32 $0x88, s3;
	s6 =	simm.s32 @!p1 $0x1082;
	[sflag:s4] =	ssyncset.s32 $0xFFFFF086  }
0x25: {  	[simem:s6], [sflag:s4] =	dma.local [hbm:s3], $0xF7A  }
0x26: {  	[smem:$0x3F9B] =	sst s1;
	(tag) =	ssettag s2;
	_ =	strace s9  }
0x27: {  	s1 =	sld [smem:$0x3FAB]  }
0x28: {  	s2 =	sld [smem:$0x3FAC]  }
0x29: {  	s4 =	sld [smem:$0x3FAE]  }
0x2a: {  	p0 =	seq.s32 s5, $0x0;
	s5 =	sld [smem:$0x3FAF]  }
0x2b: {  	s6 =	sld [smem:$0x3FB0]  }
0x2c: {  	s7 =	sld [smem:$0x3FB1]  }
0x2d: {  	s3 =	simm.s32 $0x108;
	s8 =	sld [smem:$0x3FB2]  }
0x2e: {  	s3 =	simm.s32 @!p0 $0x1082;
	s9 =	sld [smem:$0x3FB3]  }
0x2f: {  	lr =	sadd.s32 s0, s3;
	s0 =	sld [smem:$0x3FAA]  }
0x30: {  	s3 =	sld [smem:$0x3FAD]  }
0x31: {  	[smem:$0x3FB6] =	sst s10  }
0x32: {  	s10 =	sld [smem:$0x3FB4];
	_ =	sdelay $0x3  }
0x33: {  	p0 =	seq.s32 s10, $0x1;
	s10 =	sld [smem:$0x3FB6];
	_ =	sdelay $0x3  }
0x34: {  	[smem:$0x3FB6] =	sst s10  }
0x35: {  	s10 =	sld [smem:$0x3FB5];
	_ =	sdelay $0x3  }
0x36: {  	p1 =	seq.s32 s10, $0x1;
	s10 =	sld [smem:$0x3FB6];
	_ =	sdelay $0x3  }
0x37: {  	[smem:$0x3FB6] =	sst s10  }
0x38: {  	s10 =	sld [smem:$0x3FB7]  }
0x39: {  	_ = 	snop;
	(pc) =	sbr.ind lr, $3  }
0x3a: {  	_ = 	snop  }
0x3b: {  	_ = 	snop  }
0x3c: {  	p2 =	seq.s32 s10, $0x1;
	s10 =	sld [smem:$0x3FB6]  }
0x3d: {  	_ =	shalt  }
0x3e: {  	_ =	shalt  }
0x3f: {  	_ =	shalt  }
0x40: {  	_ =	shalt  }
0x41: {  	_ =	shalt  }
0x42: {  	_ =	shalt  }
0x43: {  	_ =	shalt  }
0x44: {  	_ =	shalt  }
0x45: {  	_ =	shalt  }
0x46: {  	_ =	shalt  }
0x47: {  	_ =	shalt  }
0x48: {  	_ =	shalt  }
0x49: {  	_ =	shalt  }
0x4a: {  	_ =	shalt  }
0x4b: {  	_ =	shalt  }
0x4c: {  	_ =	shalt  }
0x4d: {  	_ =	shalt  }
0x4e: {  	_ =	shalt  }
0x4f: {  	_ =	shalt  }
0x50: {  	_ =	shalt  }
0x51: {  	_ =	shalt  }
0x52: {  	_ =	shalt  }
0x53: {  	_ =	shalt  }
0x54: {  	_ =	shalt  }
0x55: {  	_ =	shalt  }
0x56: {  	_ =	shalt  }
0x57: {  	_ =	shalt  }
0x58: {  	_ =	shalt  }
0x59: {  	_ =	shalt  }
0x5a: {  	_ =	shalt  }
0x5b: {  	_ =	shalt  }
0x5c: {  	_ =	shalt  }
0x5d: {  	_ =	shalt  }
0x5e: {  	_ =	shalt  }
0x5f: {  	_ =	shalt  }
0x60: {  	_ =	shalt  }
0x61: {  	_ =	shalt  }
0x62: {  	_ =	shalt  }
0x63: {  	_ =	shalt  }
0x64: {  	_ =	shalt  }
0x65: {  	_ =	shalt  }
0x66: {  	_ =	shalt  }
0x67: {  	_ =	shalt  }
0x68: {  	_ =	shalt  }
0x69: {  	_ =	shalt  }
0x6a: {  	_ =	shalt  }
0x6b: {  	_ =	shalt  }
0x6c: {  	_ =	shalt  }
0x6d: {  	_ =	shalt  }
0x6e: {  	_ =	shalt  }
0x6f: {  	_ =	shalt  }
0x70: {  	_ =	shalt  }
0x71: {  	_ =	shalt  }
0x72: {  	_ =	shalt  }
0x73: {  	_ =	shalt  }
0x74: {  	_ =	shalt  }
0x75: {  	_ =	shalt  }
0x76: {  	_ =	shalt  }
0x77: {  	_ =	shalt  }
0x78: {  	_ =	shalt  }
0x79: {  	_ =	shalt  }
0x7a: {  	_ =	shalt  }
0x7b: {  	_ =	shalt  }
0x7c: {  	_ =	shalt  }
0x7d: {  	_ =	shalt  }
0x7e: {  	_ =	shalt  }
0x7f: {  	_ =	shalt  }
0x80: {  	_ =	shalt  }
0x81: {  	_ =	shalt  }
0x82: {  	_ =	shalt  }
0x83: {  	_ =	shalt  }
0x84: {  	_ =	shalt  }
0x85: {  	_ =	shalt  }
0x86: {  	_ =	shalt  }
0x87: {  	_ =	shalt  }
.Lfunc_end0:
.L_simem_size_0:
called_computation.2_lowered:
.L_overlay_start_0:
0x88: {  	s2 =	sld [smem:$0x3FD9]  }
0x89: {  	s3 =	sld [smem:$0x3FFE];
	_ =	sdelay $0x1  }
0x8a: {  	s1 =	srdreg.scid  }
0x8b: {  	s0 =	sand.u32 $0x1, s1  }
0x8c: {  	s17 =	sshll.u32 s0, $0xA;
	s2 =	sadd.s32 s3, s2  }
0x8d: {  	s2 =	sadd.s32 s2, s17  }
0x8e: {  	[smem:$0x3FC2] =	sst s2  }
0x8f: {  	_ = 	snop  }
0x90: {  	s2 =	sld [smem:$0x3FD0];
	(tm) =	ssettm $0x1  }
0x91: {  	s18 =	sld [smem:$0x3FFB];
	_ =	sdelay $0x3  }
0x92: {  	_ =	strace s18  }
0x93: {  	s3 =	sld [smem:$0x3FFC];
	_ =	sdelay $0x3  }
0x94: {  	_ =	strace s3  }
0x95: {  	s3 =	sld [smem:$0x3FFD];
	_ =	sdelay $0x3  }
0x96: {  	_ =	strace s3  }
0x97: {  	_ =	strace $0x8FFFFFFF  }
0x98: {  	s19 =	sld [smem:$0x3FDB];
	_ =	sdelay $0x1  }
0x99: {  	s4 =	simm.s32 $_scs_section_size  }
0x9a: {  	s5 =	simm.s32 $_size__tile_overlayer_lowered;
	s6 =	simm.s32 $_tile_overlayer_lowered  }
0x9b: {  	s22 =	simm.s32 $0x1BFF;
	s21 =	sshll.u32 s6, $0x1;
	s3 =	sadd.s32 s4, s19  }
0x9c: {  	s7 =	simm.s32 $0x0;
	s20 =	sshll.u32 s5, $0x1;
	s5 =	sadd.s32 s21, s3  }
0x9d: {  	[timem:s7], [sflag:s22] =	dma.local [hbm:s5], s20  }
0x9e: {  	_ =	swait.ge [sflag:s22], s20  }
0x9f: {  	s4 =	ssub.s32 $0x0, s20;
	[sflag:s22] =	ssyncset.done $0x0  }
0xa0: {  	[sflag:s22] =	ssyncadd.s32 s4;
	_ =	sdelay $0x1  }
0xa1: {  	s23 =	simm.s32 $0x1B8B  }
0xa2: {  	_ =	swait.ge [sflag:s23], $0x1  }
0xa3: {  	[sflag:s23] =	ssyncset.done $0x0  }
0xa4: {  	s25 =	simm.s32 $0x1B8E;
	s24 =	sld [smem:$0x3FFE];
	[sflag:s23] =	ssyncadd.s32 $0xFFFFFFFF  }
0xa5: {  	s26 =	simm.s32 $execute0_lowered;
	[smem:$0x3FD2] =	sst s25  }
0xa6: {  	s5 =	sshll.u32 s26, $0x1;
	_ =	strace $0x8000004C;
	[dreg:$0x1] =	wrdreg $0xFFFFFFFF  }
0xa7: {  	s28 =	simm.s32 $_size_execute0_lowered;
	s3 =	sadd.s32 s3, s5;
	[dreg:$0x0] =	wrdreg $0x0  }
0xa8: {  	s5 =	sshll.u32 s28, $0x1;
	[dreg:$0x2] =	wrdreg s3  }
0xa9: {  	[dreg:$0x3] =	wrdreg s5  }
0xaa: {  	[dreg:$0x4] =	wrdreg $0xC0  }
0xab: {  	_ =	task [dreg:s7], $0x5FFFF  }
0xac: {  	[dreg:$0x1] =	wrdreg $0xFFFFFFFF  }
0xad: {  	[dreg:$0x0] =	wrdreg $0x60  }
0xae: {  	[dreg:$0x2] =	wrdreg s2  }
0xaf: {  	[dreg:$0x3] =	wrdreg s24  }
0xb0: {  	[dreg:$0x4] =	wrdreg $0xA8000  }
0xb1: {  	[dreg:$0x5] =	wrdreg $0x9  }
0xb2: {  	_ =	task.clear_ibuf [dreg:s7], $0x6FFFF;
	_ =	strace $0x9000004C  }
0xb3: {  	s29 =	simm.s32 $0x9;
	_ =	strace $0x8000004E  }
0xb4: {  	_ =	swait.ge [sflag:s29], $0x1  }
0xb5: {  	[sflag:s29] =	ssyncadd.s32 $0xFFFFFFFF  }
0xb6: {  	_ =	strace $0x9000004E  }
0xb7: {  	_ =	sfence  }
0xb8: {  	s30 =	sld [smem:$0x0];
	_ =	sdelay $0x2  }
0xb9: {  	s31 =	sshll.u32 s1, $0xD;
	s1 =	sshrl.u32 s1, $0x2  }
0xba: {  	s3 =	sand.u32 $0x4000, s31;
	s1 =	sadd.s32 s1, s30  }
0xbb: {  	s0 =	sor.u32 s3, s0;
	s1 =	sshll.u32 s1, $0x11  }
0xbc: {  	s0 =	sor.u32 s1, s0  }
0xbd: {  	s0 =	sadd.s32 $0x8F2B, s0  }
0xbe: {  	[sflag:s0] =	ssyncadd.remote.s32 $0x1  }
0xbf: {  	_ =	sfence.sel $0xFFFF  }
0xc0: {  	[dreg:$0x0] =	wrdreg $0xFFFFFFFF;
	(pc) =	sbr.abs _section_cstart, $3  }
0xc1: {  	[dreg:$0x1] =	wrdreg $0xFFFFFFFF  }
0xc2: {  	_ =	task.clear_ibuf [dreg:s7], $0x2FFFF;
	_ =	strace $0x9FFFFFFF  }
0xc3: {  	(tm) =	ssettm $0x7FFFFFFF  }
tec
execute0_lowered:
.L_overlay_start_1:
0x0: {  	(tag) =	ssettag $0x1  }
0x1: {  	s1 =	rddreg [dreg:$0x0]  }
0x2: {  	s5 =	rddreg [dreg:$0x1]  }
0x3: {  	s2 =	rddreg [dreg:$0x2]  }
0x4: {  	s3 =	srdreg.scid;
	s0 =	rddreg [dreg:$0x3];
	s4 =	simm.s32 $0x0  }
0x5: {  	s17 =	simm.s32 $0x2;
	s18 =	simm.s32 $0x1400;
	s19 =	simm.s32 $0x100  }
0x6: {  	s20 =	simm.s32 $0x1;
	s21 =	simm.s32 $0x80;
	s6 =	sand.u32 $0x1, s3  }
0x7: {  	s22 =	simm.s32 $0x6800;
	s3 =	stileid.u32;
	s7 =	smul.u32 $0x140000, s6  }
0x8: {  	[smem:$0x7FF] =	sst s4;
	s15 =	sadd.s32 $0xC600, s5;
	s8 =	smul.u32 $0x14000, s3  }
0x9: {  	s14 =	sadd.s32 $0x2600, s5;
	_ =	strace $0x8000004D;
	s26 =	smul.u32 $0x50000, s3  }
0xa: {  	s9 =	ssub.s32 $0x2, s6;
	s30 =	sshll.u32 s6, $0x5;
	s11 =	sshll.u32 s3, $0x1  }
0xb: {  	s28 =	sshrl.u32 s9, $0x1;
	s31 =	sor.u32 s11, s30;
	s7 =	sadd.s32 s8, s7  }
0xc: {  	s12 =	ssub.s32 s9, s28;
	s16 =	smul.u32 $0x280, s31;
	s7 =	sshrl.u32 s7, $0x3  }
0xd: {  	s29 =	sshrl.u32 s26, $0x2;
	s11 =	smax.u32 s12, $0x1;
	s10 =	sadd.s32 s7, s5  }
0xe: {  	s5 =	sadd.s32 s29, s2;
	s12 =	sadd.s32 s14, s16;
	s13 =	sadd.s32 s15, s16  }
0xf: {  	s16 =	sadd.s32 $0x280, s16;
	s6 =	sadd.s32 $0x4000, s5;
	s7 =	sadd.s32 $0x8000, s5  }
0x10: {  	s8 =	sadd.s32 $0xC000, s5;
	s9 =	sadd.s32 $0x10000, s5;
	s10 =	sadd.s32 $0x16600, s10  }
0x11: {  	v0 =	vimm.f32 $0.0e+00;
	s14 =	sadd.s32 s14, s16;
	s15 =	sadd.s32 s15, s16;
	s16 =	simm.s32 $0x2800  }
.LBB2_1:
0x12: {  	s23 =	simm.s32 $0x0;
	s24 =	simm.s32 $0x200  }
.LBB2_2:
0x13: {  	p0 =	sne.s32 s24, $0xFE00;
	[tilespmem:s23+$0x2870] =	vst v0  }
0x14: {  	[tilespmem:s23+$0x2800] =	vst v0  }
0x15: {  	[tilespmem:s23+$0x2810] =	vst v0  }
.Ltmp0:
0x16: {  	[tilespmem:s23+$0x2820] =	vst v0;
	(pc) =	sbr.rel @p0 .LBB2_2-.Ltmp0, $4  }
0x17: {  	[tilespmem:s23+$0x2830] =	vst v0  }
0x18: {  	[tilespmem:s23+$0x2840] =	vst v0  }
0x19: {  	[tilespmem:s23+$0x2850] =	vst v0  }
0x1a: {  	[tilespmem:s23+$0x2860] =	vst v0;
	s23 =	sshra.s32 s24, $0x2;
	s24 =	sadd.s32 $0x200, s24  }
0x1b: {  	[tilespmem:s23+$0x2870] =	vst v0  }
0x1c: {  	[tilespmem:s23+$0x2800] =	vst v0  }
0x1d: {  	[tilespmem:s23+$0x2810] =	vst v0  }
0x1e: {  	[tilespmem:s23+$0x2820] =	vst v0  }
0x1f: {  	[tilespmem:s23+$0x2830] =	vst v0  }
0x20: {  	[tilespmem:s23+$0x2840] =	vst v0  }
0x21: {  	[tilespmem:s23+$0x2850] =	vst v0  }
0x22: {  	[tilespmem:s23+$0x2860] =	vst v0  }
0x23: {  	[spmem:s5] =	stream.linear.scatter [tilespmem:s16], [sflag:$0x2], $0x4000, $0x38;
	[tilespmem:$0x1E800] =	vst v63  }
0x24: {  	_ =	swait.ge [sflag:s17], $0x4000  }
0x25: {  	[sflag:s17] =	ssyncset.done $0x0  }
0x26: {  	[sflag:s17] =	ssyncadd.s32 $0xFFFFC000  }
0x27: {  	[spmem:s6] =	stream.linear.scatter [tilespmem:s16], [sflag:$0x2], $0x4000, $0x38;
	[tilespmem:$0x1E800] =	vst v63  }
0x28: {  	_ =	swait.ge [sflag:s17], $0x4000  }
0x29: {  	[sflag:s17] =	ssyncset.done $0x0  }
0x2a: {  	[sflag:s17] =	ssyncadd.s32 $0xFFFFC000  }
0x2b: {  	[spmem:s7] =	stream.linear.scatter [tilespmem:s16], [sflag:$0x2], $0x4000, $0x38;
	[tilespmem:$0x1E800] =	vst v63  }
0x2c: {  	_ =	swait.ge [sflag:s17], $0x4000  }
0x2d: {  	[sflag:s17] =	ssyncset.done $0x0  }
0x2e: {  	[sflag:s17] =	ssyncadd.s32 $0xFFFFC000  }
0x2f: {  	[spmem:s8] =	stream.linear.scatter [tilespmem:s16], [sflag:$0x2], $0x4000, $0x38;
	[tilespmem:$0x1E800] =	vst v63  }
0x30: {  	_ =	swait.ge [sflag:s17], $0x4000  }
0x31: {  	[sflag:s17] =	ssyncset.done $0x0  }
0x32: {  	[sflag:s17] =	ssyncadd.s32 $0xFFFFC000  }
0x33: {  	[spmem:s9] =	stream.linear.scatter [tilespmem:s16], [sflag:$0x2], $0x4000, $0x38;
	[tilespmem:$0x1E800] =	vst v63  }
0x34: {  	_ =	swait.ge [sflag:s17], $0x4000  }
0x35: {  	[sflag:s17] =	ssyncset.done $0x0  }
0x36: {  	[sflag:s17] =	ssyncadd.s32 $0xFFFFC000  }
0x37: {  	s28 =	simm.s32 $0x0;
	[bflag:$0x0] =	sbarrier.arrive $0xFFFF  }
0x38: {  	[tilespmem:s18], [sflag:$0x2] =	stream.linear.gather [hbm4b:s12+s28], $0x1400, $0x38;
	[tilespmem:$0x1E800] =	vst v63  }
0x39: {  	_ =	swait.ge [sflag:s17], $0x1400  }
0x3a: {  	[sflag:s17] =	ssyncset.done $0x0  }
0x3b: {  	[sflag:s17] =	ssyncadd.s32 $0xFFFFEC00  }
0x3c: {  	[tilespmem:s28], [sflag:$0x2] =	stream.linear.gather [hbm4b:s13+s28], $0x1400, $0x38;
	[tilespmem:$0x1E800] =	vst v63  }
0x3d: {  	_ =	swait.ge [sflag:s17], $0x1400  }
0x3e: {  	[sflag:s17] =	ssyncset.done $0x0  }
0x3f: {  	s29 =	simm.s32 $0x0;
	[sflag:s17] =	ssyncadd.s32 $0xFFFFEC00  }
0x40: {  	[tilespmem:s16], [sflag:$0x1] =	stream.indirect.gather [hbm4b:s1+s19], $0x80, s29, s19, $0xb8;
	[tilespmem:$0x1E800] =	vst v63  }
0x41: {  	_ =	swait.ge [sflag:s20], $0x8000  }
0x42: {  	[sflag:s20] =	ssyncset.done $0x0  }
0x43: {  	s30 =	simm.s32 $0x1400;
	[sflag:s20] =	ssyncadd.s32 $0xFFFF8000  }
0x44: {  	[spmem:s2] =	stream.indirect.scatter.add.f32 [tilespmem:s16], [sflag:$0x2], $0x80, s30, s21, $0xb8;
	[tilespmem:$0x1E800] =	vst v63  }
0x45: {  	_ =	swait.ge [sflag:s17], $0x4000  }
0x46: {  	[sflag:s17] =	ssyncset.done $0x0  }
0x47: {  	s31 =	simm.s32 $0x1480;
	[sflag:s17] =	ssyncadd.s32 $0xFFFFC000  }
0x48: {  	[spmem:s2] =	stream.indirect.scatter.add.f32 [tilespmem:s22], [sflag:$0x2], $0x80, s31, s21, $0xb8;
	[tilespmem:$0x1E800] =	vst v63  }
0x49: {  	_ =	swait.ge [sflag:s17], $0x4000  }
0x4a: {  	s23 =	simm.s32 $0x400;
	s24 =	simm.s32 $0x800;
	[sflag:s17] =	ssyncset.done $0x0  }
.LBB2_4:
0x4b: {  	s25 =	sshra.s32 s23, $0x2  }
0x4c: {  	[sflag:s17] =	ssyncadd.s32 $0xFFFFC000;
	s23 =	smov.u32 s24;
	s26 =	sadd.s32 $0x400, s24  }
0x4d: {  	[tilespmem:s16], [sflag:$0x1] =	stream.indirect.gather [hbm4b:s1+s19], $0x80, s25, s19, $0xb8;
	[tilespmem:$0x1E800] =	vst v63  }
0x4e: {  	p0 =	sne.s32 s24, $0x4C00;
	_ =	swait.ge [sflag:s20], $0x8000  }
0x4f: {  	[sflag:s20] =	ssyncset.done $0x0  }
0x50: {  	s24 =	sadd.s32 $0x1400, s25;
	[sflag:s20] =	ssyncadd.s32 $0xFFFF8000  }
0x51: {  	[spmem:s2] =	stream.indirect.scatter.add.f32 [tilespmem:s16], [sflag:$0x2], $0x80, s24, s21, $0xb8;
	[tilespmem:$0x1E800] =	vst v63  }
0x52: {  	_ =	swait.ge [sflag:s17], $0x4000  }
.Ltmp1:
0x53: {  	[sflag:s17] =	ssyncset.done $0x0;
	(pc) =	sbr.rel @p0 .LBB2_4-.Ltmp1, $4  }
0x54: {  	s24 =	sadd.s32 $0x1480, s25;
	[sflag:s17] =	ssyncadd.s32 $0xFFFFC000  }
0x55: {  	[spmem:s2] =	stream.indirect.scatter.add.f32 [tilespmem:s22], [sflag:$0x2], $0x80, s24, s21, $0xb8;
	[tilespmem:$0x1E800] =	vst v63  }
0x56: {  	_ =	swait.ge [sflag:s17], $0x4000  }
0x57: {  	s24 =	smov.u32 s26;
	[sflag:s17] =	ssyncset.done $0x0  }
0x58: {  	s23 =	sshra.s32 s23, $0x2;
	[sflag:s17] =	ssyncadd.s32 $0xFFFFC000  }
0x59: {  	[tilespmem:s16], [sflag:$0x1] =	stream.indirect.gather [hbm4b:s1+s19], $0x80, s23, s19, $0xb8;
	[tilespmem:$0x1E800] =	vst v63  }
0x5a: {  	_ =	swait.ge [sflag:s20], $0x8000  }
0x5b: {  	[sflag:s20] =	ssyncset.done $0x0  }
0x5c: {  	s24 =	sadd.s32 $0x1400, s23;
	[sflag:s20] =	ssyncadd.s32 $0xFFFF8000  }
0x5d: {  	[spmem:s2] =	stream.indirect.scatter.add.f32 [tilespmem:s16], [sflag:$0x2], $0x80, s24, s21, $0xb8;
	[tilespmem:$0x1E800] =	vst v63  }
0x5e: {  	_ =	swait.ge [sflag:s17], $0x4000  }
0x5f: {  	[sflag:s17] =	ssyncset.done $0x0  }
0x60: {  	s23 =	sadd.s32 $0x1480, s23;
	[sflag:s17] =	ssyncadd.s32 $0xFFFFC000  }
0x61: {  	[spmem:s2] =	stream.indirect.scatter.add.f32 [tilespmem:s22], [sflag:$0x2], $0x80, s23, s21, $0xb8;
	[tilespmem:$0x1E800] =	vst v63  }
0x62: {  	_ =	swait.ge [sflag:s17], $0x4000  }
0x63: {  	[sflag:s17] =	ssyncset.done $0x0  }
0x64: {  	s28 =	simm.s32 $0x0;
	[sflag:s17] =	ssyncadd.s32 $0xFFFFC000  }
0x65: {  	[tilespmem:s18], [sflag:$0x2] =	stream.linear.gather [hbm4b:s14+s28], $0x1400, $0x38;
	[tilespmem:$0x1E800] =	vst v63  }
0x66: {  	_ =	swait.ge [sflag:s17], $0x1400  }
0x67: {  	[sflag:s17] =	ssyncset.done $0x0  }
0x68: {  	[sflag:s17] =	ssyncadd.s32 $0xFFFFEC00  }
0x69: {  	[tilespmem:s28], [sflag:$0x2] =	stream.linear.gather [hbm4b:s15+s28], $0x1400, $0x38;
	[tilespmem:$0x1E800] =	vst v63  }
0x6a: {  	_ =	swait.ge [sflag:s17], $0x1400  }
0x6b: {  	[sflag:s17] =	ssyncset.done $0x0  }
0x6c: {  	s29 =	simm.s32 $0x0;
	[sflag:s17] =	ssyncadd.s32 $0xFFFFEC00  }
0x6d: {  	[tilespmem:s16], [sflag:$0x1] =	stream.indirect.gather [hbm4b:s1+s19], $0x80, s29, s19, $0xb8;
	[tilespmem:$0x1E800] =	vst v63  }
0x6e: {  	_ =	swait.ge [sflag:s20], $0x8000  }
0x6f: {  	[sflag:s20] =	ssyncset.done $0x0  }
0x70: {  	s30 =	simm.s32 $0x1400;
	[sflag:s20] =	ssyncadd.s32 $0xFFFF8000  }
0x71: {  	[spmem:s2] =	stream.indirect.scatter.add.f32 [tilespmem:s16], [sflag:$0x2], $0x80, s30, s21, $0xb8;
	[tilespmem:$0x1E800] =	vst v63  }
0x72: {  	_ =	swait.ge [sflag:s17], $0x4000  }
0x73: {  	[sflag:s17] =	ssyncset.done $0x0  }
0x74: {  	s31 =	simm.s32 $0x1480;
	[sflag:s17] =	ssyncadd.s32 $0xFFFFC000  }
0x75: {  	[spmem:s2] =	stream.indirect.scatter.add.f32 [tilespmem:s22], [sflag:$0x2], $0x80, s31, s21, $0xb8;
	[tilespmem:$0x1E800] =	vst v63  }
0x76: {  	_ =	swait.ge [sflag:s17], $0x4000  }
0x77: {  	s24 =	simm.s32 $0x800;
	s23 =	simm.s32 $0x400;
	[sflag:s17] =	ssyncset.done $0x0  }
.LBB2_6:
0x78: {  	s25 =	sshra.s32 s23, $0x2  }
0x79: {  	[sflag:s17] =	ssyncadd.s32 $0xFFFFC000;
	s23 =	smov.u32 s24;
	s26 =	sadd.s32 $0x400, s24  }
0x7a: {  	[tilespmem:s16], [sflag:$0x1] =	stream.indirect.gather [hbm4b:s1+s19], $0x80, s25, s19, $0xb8;
	[tilespmem:$0x1E800] =	vst v63  }
0x7b: {  	p0 =	sne.s32 s24, $0x4C00;
	_ =	swait.ge [sflag:s20], $0x8000  }
0x7c: {  	[sflag:s20] =	ssyncset.done $0x0  }
0x7d: {  	s24 =	sadd.s32 $0x1400, s25;
	[sflag:s20] =	ssyncadd.s32 $0xFFFF8000  }
0x7e: {  	[spmem:s2] =	stream.indirect.scatter.add.f32 [tilespmem:s16], [sflag:$0x2], $0x80, s24, s21, $0xb8;
	[tilespmem:$0x1E800] =	vst v63  }
0x7f: {  	_ =	swait.ge [sflag:s17], $0x4000  }
.Ltmp2:
0x80: {  	[sflag:s17] =	ssyncset.done $0x0;
	(pc) =	sbr.rel @p0 .LBB2_6-.Ltmp2, $4  }
0x81: {  	s24 =	sadd.s32 $0x1480, s25;
	[sflag:s17] =	ssyncadd.s32 $0xFFFFC000  }
0x82: {  	[spmem:s2] =	stream.indirect.scatter.add.f32 [tilespmem:s22], [sflag:$0x2], $0x80, s24, s21, $0xb8;
	[tilespmem:$0x1E800] =	vst v63  }
0x83: {  	_ =	swait.ge [sflag:s17], $0x4000  }
0x84: {  	s24 =	smov.u32 s26;
	[sflag:s17] =	ssyncset.done $0x0  }
0x85: {  	s23 =	sshra.s32 s23, $0x2;
	[sflag:s17] =	ssyncadd.s32 $0xFFFFC000  }
0x86: {  	[tilespmem:s16], [sflag:$0x1] =	stream.indirect.gather [hbm4b:s1+s19], $0x80, s23, s19, $0xb8;
	[tilespmem:$0x1E800] =	vst v63  }
0x87: {  	_ =	swait.ge [sflag:s20], $0x8000  }
0x88: {  	[sflag:s20] =	ssyncset.done $0x0  }
0x89: {  	s24 =	sadd.s32 $0x1400, s23;
	[sflag:s20] =	ssyncadd.s32 $0xFFFF8000  }
0x8a: {  	[spmem:s2] =	stream.indirect.scatter.add.f32 [tilespmem:s16], [sflag:$0x2], $0x80, s24, s21, $0xb8;
	[tilespmem:$0x1E800] =	vst v63  }
0x8b: {  	_ =	swait.ge [sflag:s17], $0x4000  }
0x8c: {  	[sflag:s17] =	ssyncset.done $0x0  }
0x8d: {  	s23 =	sadd.s32 $0x1480, s23;
	[sflag:s17] =	ssyncadd.s32 $0xFFFFC000  }
0x8e: {  	[spmem:s2] =	stream.indirect.scatter.add.f32 [tilespmem:s22], [sflag:$0x2], $0x80, s23, s21, $0xb8;
	[tilespmem:$0x1E800] =	vst v63  }
0x8f: {  	_ =	swait.ge [sflag:s17], $0x4000  }
0x90: {  	s30 =	sshll.u32 s3, $0x6;
	s4 =	sadd.s32 $0x1, s4;
	[sflag:s17] =	ssyncset.done $0x0  }
0x91: {  	s31 =	sshrl.u32 s5, $0x3;
	p0 =	sne.s32 s4, s11;
	[sflag:s17] =	ssyncadd.s32 $0xFFFFC000  }
.Ltmp3:
0x92: {  	s23 =	sor.u32 $0x1C02, s30;
	[bflag:$0x0] =	sbarrier.arrive $0xFFFF;
	(pc) =	sbr.rel @p0 .LBB2_1-.Ltmp3, $4  }
0x93: {  	[hbm:s10], [sflag:s23] =	dma.local [spmem:s31], $0x2800  }
0x94: {  	_ =	swait.ge [sflag:s17], $0x2800  }
0x95: {  	[sflag:s17] =	ssyncset.done $0x0  }
0x96: {  	[sflag:s17] =	ssyncadd.s32 $0xFFFFD800  }
0x97: {  	_ =	sfence.sel $0x180000  }
0x98: {  	[bflag:$0x0] =	sbarrier.arrive $0xFFFF  }
0x99: {  	p0 =	sne.s32 s3, $0x0;
	_ =	strace $0x9000004D  }
0x9a: {  	s0 =	sadd.s32 @!p0 $0x100000, s0;
	[bflag:$0x2] =	sbarrier.arrive $0xFFFF  }
0x9b: {  	[sflag:s0] =	ssyncadd.tile.s32 @!p0 $0x1;
	_ =	shalt  }
.Lfunc_end2:
_tile_overlayer_lowered:
.L_overlay_start_2:
0x9c: {  	(tag) =	ssettag $0x2  }
0x9d: {  	s0 =	rddreg [dreg:$0x0];
	s2 =	stileid.u32  }
0x9e: {  	s1 =	rddreg [dreg:$0x1];
	p0 =	sne.s32 s2, $0x0  }
0x9f: {  	s3 =	rddreg [dreg:$0x2];
	[bflag:$0x3] =	sbarrier.arrive $0xFFFF;
	s2 =	simm.s32 @!p0 $0x1C02  }
0xa0: {  	[timem:s3], [sflag:s2] =	dma.local @!p0 [hbm:s0], s1  }
0xa1: {  	s0 =	simm.s32 @!p0 $0x2  }
0xa2: {  	_ =	swait.ge @!p0 [sflag:s0], s1  }
0xa3: {  	s1 =	ssub.s32 @!p0 $0x0, s1;
	[sflag:s0] =	ssyncset.done @!p0 $0x0  }
0xa4: {  	[sflag:s0] =	ssyncadd.s32 @!p0 s1  }
0xa5: {  	[bflag:$0x3] =	sbarrier.arrive $0xFFFF  }
0xa6: {  	_ =	shalt  }

// kernel: kernel.8.cloned.1.call-start
scs
__scs_entry_jumppad:
0x0: {  	(pc) =	sbr.rel $0x88, $3  }
0x1: {  	(tag) =	ssettag $0x0;
	lr =	simm.s32 $0x1  }
0x2: {  	[smem:$0x3F9B] =	sst lr;
	_ =	strace $0xD0000000  }
0x3: {  	_ = 	snop  }
0x4: {  	_ = 	snop  }
0x5: {  	_ = 	snop  }
0x6: {  	_ = 	snop  }
0x7: {  	_ = 	snop  }
__scs_overlays_trampoline_lowered:
0x8: {  	[smem:$0x3FAA] =	sst s0  }
0x9: {  	[smem:$0x3FAB] =	sst s1  }
0xa: {  	[smem:$0x3FAC] =	sst s2  }
0xb: {  	[smem:$0x3FAD] =	sst s3  }
0xc: {  	[smem:$0x3FAE] =	sst s4  }
0xd: {  	[smem:$0x3FAF] =	sst s5  }
0xe: {  	[smem:$0x3FB0] =	sst s6  }
0xf: {  	[smem:$0x3FB1] =	sst s7  }
0x10: {  	[smem:$0x3FB2] =	sst s8  }
0x11: {  	[smem:$0x3FB3] =	sst s9;
	s0 =	simm.s32 @!p0 $0x0  }
0x12: {  	s1 =	sld [smem:$0x3F99];
	s0 =	simm.s32 @p0 $0x1  }
0x13: {  	[smem:$0x3FB4] =	sst s0;
	s0 =	simm.s32 @!p1 $0x0  }
0x14: {  	s2 =	sld [smem:$0x3F98];
	s0 =	simm.s32 @p1 $0x1  }
0x15: {  	[smem:$0x3FB5] =	sst s0;
	s0 =	simm.s32 @!p2 $0x0  }
0x16: {  	s3 =	sld [smem:$0x3FDB];
	s0 =	simm.s32 @p2 $0x1  }
0x17: {  	s4 =	simm.s32 $0x1BF5;
	[smem:$0x3FB7] =	sst s0  }
0x18: {  	s0 =	sld [smem:$0x3F9A];
	_ =	swait.ge [sflag:s4], $0x0  }
0x19: {  	s7 =	sld [smem:$0x3F9B]  }
0x1a: {  	s8 =	sadd.s32 $0xFFFFE003, lr  }
0x1b: {  	s9 =	sadd.s32 $0xFFFFFEF7, lr;
	s5 =	simm.s32 $0xFFFFFFFF;
	p2 =	slt.u32 s8, $0xFFFFF086  }
0x1c: {  	p1 =	slt.u32 s9, $0xF7A;
	s5 =	simm.s32 @!p2 $0x0  }
0x1d: {  	s5 =	simm.s32 @p1 $0x1;
	p0 =	seq.s32 s7, s2  }
0x1e: {  	s7 =	smul.u32 @!p0 $0xF7A, s2;
	p2 =	seq.s32 @!p0 s5, $0x0  }
0x1f: {  	s9 =	smul.u32 $0xF7A, s1;
	s8 =	simm.s32 @!p0 $0x1BF5;
	p2 =	por !p2, p0  }
0x20: {  	[sflag:s8] =	ssyncset.s32 @!p0 $0xFFFFF086;
	s6 =	sadd.s32 @!p0 s3, s7;
	s7 =	simm.s32 @!p0 $0x108  }
0x21: {  	s3 =	sadd.s32 s3, s9;
	s6 =	sadd.s32 @!p0 $0x88, s6;
	s7 =	simm.s32 @p2 $0x1082  }
0x22: {  	[simem:s7], [sflag:s8] =	dma.local @!p0 [hbm:s6], $0xF7A  }
0x23: {  	s9 =	sor.u32 $0xD0000000, s2;
	s6 =	simm.s32 $0x108;
	_ =	swait.ge @!p0 [sflag:s8], $0x0  }
0x24: {  	s3 =	sadd.s32 $0x88, s3;
	s6 =	simm.s32 @!p1 $0x1082;
	[sflag:s4] =	ssyncset.s32 $0xFFFFF086  }
0x25: {  	[simem:s6], [sflag:s4] =	dma.local [hbm:s3], $0xF7A  }
0x26: {  	[smem:$0x3F9B] =	sst s1;
	(tag) =	ssettag s2;
	_ =	strace s9  }
0x27: {  	s1 =	sld [smem:$0x3FAB]  }
0x28: {  	s2 =	sld [smem:$0x3FAC]  }
0x29: {  	s4 =	sld [smem:$0x3FAE]  }
0x2a: {  	p0 =	seq.s32 s5, $0x0;
	s5 =	sld [smem:$0x3FAF]  }
0x2b: {  	s6 =	sld [smem:$0x3FB0]  }
0x2c: {  	s7 =	sld [smem:$0x3FB1]  }
0x2d: {  	s3 =	simm.s32 $0x108;
	s8 =	sld [smem:$0x3FB2]  }
0x2e: {  	s3 =	simm.s32 @!p0 $0x1082;
	s9 =	sld [smem:$0x3FB3]  }
0x2f: {  	lr =	sadd.s32 s0, s3;
	s0 =	sld [smem:$0x3FAA]  }
0x30: {  	s3 =	sld [smem:$0x3FAD]  }
0x31: {  	[smem:$0x3FB6] =	sst s10  }
0x32: {  	s10 =	sld [smem:$0x3FB4];
	_ =	sdelay $0x3  }
0x33: {  	p0 =	seq.s32 s10, $0x1;
	s10 =	sld [smem:$0x3FB6];
	_ =	sdelay $0x3  }
0x34: {  	[smem:$0x3FB6] =	sst s10  }
0x35: {  	s10 =	sld [smem:$0x3FB5];
	_ =	sdelay $0x3  }
0x36: {  	p1 =	seq.s32 s10, $0x1;
	s10 =	sld [smem:$0x3FB6];
	_ =	sdelay $0x3  }
0x37: {  	[smem:$0x3FB6] =	sst s10  }
0x38: {  	s10 =	sld [smem:$0x3FB7]  }
0x39: {  	_ = 	snop;
	(pc) =	sbr.ind lr, $3  }
0x3a: {  	_ = 	snop  }
0x3b: {  	_ = 	snop  }
0x3c: {  	p2 =	seq.s32 s10, $0x1;
	s10 =	sld [smem:$0x3FB6]  }
0x3d: {  	_ =	shalt  }
0x3e: {  	_ =	shalt  }
0x3f: {  	_ =	shalt  }
0x40: {  	_ =	shalt  }
0x41: {  	_ =	shalt  }
0x42: {  	_ =	shalt  }
0x43: {  	_ =	shalt  }
0x44: {  	_ =	shalt  }
0x45: {  	_ =	shalt  }
0x46: {  	_ =	shalt  }
0x47: {  	_ =	shalt  }
0x48: {  	_ =	shalt  }
0x49: {  	_ =	shalt  }
0x4a: {  	_ =	shalt  }
0x4b: {  	_ =	shalt  }
0x4c: {  	_ =	shalt  }
0x4d: {  	_ =	shalt  }
0x4e: {  	_ =	shalt  }
0x4f: {  	_ =	shalt  }
0x50: {  	_ =	shalt  }
0x51: {  	_ =	shalt  }
0x52: {  	_ =	shalt  }
0x53: {  	_ =	shalt  }
0x54: {  	_ =	shalt  }
0x55: {  	_ =	shalt  }
0x56: {  	_ =	shalt  }
0x57: {  	_ =	shalt  }
0x58: {  	_ =	shalt  }
0x59: {  	_ =	shalt  }
0x5a: {  	_ =	shalt  }
0x5b: {  	_ =	shalt  }
0x5c: {  	_ =	shalt  }
0x5d: {  	_ =	shalt  }
0x5e: {  	_ =	shalt  }
0x5f: {  	_ =	shalt  }
0x60: {  	_ =	shalt  }
0x61: {  	_ =	shalt  }
0x62: {  	_ =	shalt  }
0x63: {  	_ =	shalt  }
0x64: {  	_ =	shalt  }
0x65: {  	_ =	shalt  }
0x66: {  	_ =	shalt  }
0x67: {  	_ =	shalt  }
0x68: {  	_ =	shalt  }
0x69: {  	_ =	shalt  }
0x6a: {  	_ =	shalt  }
0x6b: {  	_ =	shalt  }
0x6c: {  	_ =	shalt  }
0x6d: {  	_ =	shalt  }
0x6e: {  	_ =	shalt  }
0x6f: {  	_ =	shalt  }
0x70: {  	_ =	shalt  }
0x71: {  	_ =	shalt  }
0x72: {  	_ =	shalt  }
0x73: {  	_ =	shalt  }
0x74: {  	_ =	shalt  }
0x75: {  	_ =	shalt  }
0x76: {  	_ =	shalt  }
0x77: {  	_ =	shalt  }
0x78: {  	_ =	shalt  }
0x79: {  	_ =	shalt  }
0x7a: {  	_ =	shalt  }
0x7b: {  	_ =	shalt  }
0x7c: {  	_ =	shalt  }
0x7d: {  	_ =	shalt  }
0x7e: {  	_ =	shalt  }
0x7f: {  	_ =	shalt  }
0x80: {  	_ =	shalt  }
0x81: {  	_ =	shalt  }
0x82: {  	_ =	shalt  }
0x83: {  	_ =	shalt  }
0x84: {  	_ =	shalt  }
0x85: {  	_ =	shalt  }
0x86: {  	_ =	shalt  }
0x87: {  	_ =	shalt  }
.Lfunc_end0:
.L_simem_size_0:
called_computation_lowered:
.L_overlay_start_0:
0x88: {  	s2 =	sld [smem:$0x3FD9]  }
0x89: {  	s3 =	sld [smem:$0x3FFE];
	_ =	sdelay $0x1  }
0x8a: {  	s1 =	srdreg.scid  }
0x8b: {  	s0 =	sand.u32 $0x1, s1  }
0x8c: {  	s17 =	sshll.u32 s0, $0xA;
	s2 =	sadd.s32 s3, s2  }
0x8d: {  	s2 =	sadd.s32 s2, s17  }
0x8e: {  	[smem:$0x3FC2] =	sst s2  }
0x8f: {  	_ = 	snop  }
0x90: {  	s2 =	sld [smem:$0x3FD0];
	(tm) =	ssettm $0x1  }
0x91: {  	s18 =	sld [smem:$0x3FFB];
	_ =	sdelay $0x3  }
0x92: {  	_ =	strace s18  }
0x93: {  	s3 =	sld [smem:$0x3FFC];
	_ =	sdelay $0x3  }
0x94: {  	_ =	strace s3  }
0x95: {  	s3 =	sld [smem:$0x3FFD];
	_ =	sdelay $0x3  }
0x96: {  	_ =	strace s3  }
0x97: {  	_ =	strace $0x8FFFFFFF  }
0x98: {  	s19 =	sld [smem:$0x3FDB];
	_ =	sdelay $0x1  }
0x99: {  	s4 =	simm.s32 $_scs_section_size  }
0x9a: {  	s5 =	simm.s32 $_size__tile_overlayer_lowered;
	s6 =	simm.s32 $_tile_overlayer_lowered  }
0x9b: {  	s22 =	simm.s32 $0x1BFF;
	s21 =	sshll.u32 s6, $0x1;
	s3 =	sadd.s32 s4, s19  }
0x9c: {  	s7 =	simm.s32 $0x0;
	s20 =	sshll.u32 s5, $0x1;
	s5 =	sadd.s32 s21, s3  }
0x9d: {  	[timem:s7], [sflag:s22] =	dma.local [hbm:s5], s20  }
0x9e: {  	_ =	swait.ge [sflag:s22], s20  }
0x9f: {  	s4 =	ssub.s32 $0x0, s20;
	[sflag:s22] =	ssyncset.done $0x0  }
0xa0: {  	[sflag:s22] =	ssyncadd.s32 s4;
	_ =	sdelay $0x1  }
0xa1: {  	s23 =	simm.s32 $0x1B8B  }
0xa2: {  	_ =	swait.ge [sflag:s23], $0x1  }
0xa3: {  	[sflag:s23] =	ssyncset.done $0x0  }
0xa4: {  	s25 =	simm.s32 $0x1B8E;
	s24 =	sld [smem:$0x3FFE];
	[sflag:s23] =	ssyncadd.s32 $0xFFFFFFFF  }
0xa5: {  	s26 =	simm.s32 $execute0_lowered;
	[smem:$0x3FD2] =	sst s25  }
0xa6: {  	s5 =	sshll.u32 s26, $0x1;
	_ =	strace $0x80000046;
	[dreg:$0x1] =	wrdreg $0xFFFFFFFF  }
0xa7: {  	s28 =	simm.s32 $_size_execute0_lowered;
	s3 =	sadd.s32 s3, s5;
	[dreg:$0x0] =	wrdreg $0x0  }
0xa8: {  	s5 =	sshll.u32 s28, $0x1;
	[dreg:$0x2] =	wrdreg s3  }
0xa9: {  	[dreg:$0x3] =	wrdreg s5  }
0xaa: {  	[dreg:$0x4] =	wrdreg $0xC0  }
0xab: {  	_ =	task [dreg:s7], $0x5FFFF  }
0xac: {  	[dreg:$0x1] =	wrdreg $0xFFFFFFFF  }
0xad: {  	[dreg:$0x0] =	wrdreg $0x60  }
0xae: {  	[dreg:$0x2] =	wrdreg s24  }
0xaf: {  	[dreg:$0x3] =	wrdreg s2  }
0xb0: {  	[dreg:$0x4] =	wrdreg $0x2B000  }
0xb1: {  	[dreg:$0x5] =	wrdreg $0x9  }
0xb2: {  	_ =	task.clear_ibuf [dreg:s7], $0x6FFFF;
	_ =	strace $0x90000046  }
0xb3: {  	s29 =	simm.s32 $0x9;
	_ =	strace $0x80000048  }
0xb4: {  	_ =	swait.ge [sflag:s29], $0x1  }
0xb5: {  	[sflag:s29] =	ssyncadd.s32 $0xFFFFFFFF  }
0xb6: {  	_ =	strace $0x90000048  }
0xb7: {  	_ =	sfence  }
0xb8: {  	s30 =	sld [smem:$0x0];
	_ =	sdelay $0x2  }
0xb9: {  	s31 =	sshll.u32 s1, $0xD;
	s1 =	sshrl.u32 s1, $0x2  }
0xba: {  	s3 =	sand.u32 $0x4000, s31;
	s1 =	sadd.s32 s1, s30  }
0xbb: {  	s0 =	sor.u32 s3, s0;
	s1 =	sshll.u32 s1, $0x11  }
0xbc: {  	s0 =	sor.u32 s1, s0  }
0xbd: {  	s0 =	sadd.s32 $0x8F2B, s0  }
0xbe: {  	[sflag:s0] =	ssyncadd.remote.s32 $0x1  }
0xbf: {  	_ =	sfence.sel $0xFFFF  }
0xc0: {  	[dreg:$0x0] =	wrdreg $0xFFFFFFFF;
	(pc) =	sbr.abs _section_cstart, $3  }
0xc1: {  	[dreg:$0x1] =	wrdreg $0xFFFFFFFF  }
0xc2: {  	_ =	task.clear_ibuf [dreg:s7], $0x2FFFF;
	_ =	strace $0x9FFFFFFF  }
0xc3: {  	(tm) =	ssettm $0x7FFFFFFF  }
tec
execute0_lowered:
.L_overlay_start_1:
0x0: {  	(tag) =	ssettag $0x1  }
0x1: {  	s4 =	rddreg [dreg:$0x0]  }
0x2: {  	s6 =	rddreg [dreg:$0x1]  }
0x3: {  	s0 =	srdreg.scid;
	s2 =	rddreg [dreg:$0x2]  }
0x4: {  	s3 =	simm.s32 $0x0;
	s11 =	simm.s32 $0x2800;
	s14 =	simm.s32 $0x20  }
0x5: {  	s15 =	simm.s32 $0x10;
	s5 =	sand.u32 $0x1, s0;
	s0 =	stileid.u32  }
0x6: {  	s16 =	simm.s32 $0x0;
	[smem:$0x7FF] =	sst s3;
	s8 =	smul.u32 $0xA00, s0  }
0x7: {  	s1 =	sshll.u32 s5, $0x4;
	s9 =	ssub.s32 $0x2, s5;
	s10 =	smul.u32 $0x500, s0  }
0x8: {  	s5 =	sshll.u32 s5, $0x7;
	s12 =	sshll.u32 s0, $0x6;
	s7 =	sor.u32 s0, s1  }
0x9: {  	s1 =	rddreg [dreg:$0x3];
	_ =	strace $0x80000047;
	s28 =	sshrl.u32 s9, $0x1  }
0xa: {  	s12 =	sor.u32 $0x1C01, s12;
	s7 =	smul.u32 $0x500, s7;
	s9 =	ssub.s32 s9, s28  }
0xb: {  	s29 =	sshrl.u32 s8, $0x2;
	s30 =	sor.u32 s5, s10;
	s8 =	simm.s32 $0x2880  }
0xc: {  	s10 =	simm.s32 $0x80;
	s31 =	sshrl.u32 s30, $0x3;
	s7 =	sadd.s32 s7, s4  }
0xd: {  	s4 =	sadd.s32 s29, s2;
	s6 =	sadd.s32 s6, s31;
	s5 =	sadd.s32 $0x2600, s7  }
0xe: {  	v0 =	vimm.f32 $1.000000000e+00;
	v1 =	vimm.f32 $0.0e+00;
	s7 =	smax.u32 s9, $0x1;
	s9 =	simm.s32 $0x1;
	s13 =	sshrl.u32 s4, $0x3  }
.LBB2_1:
0xf: {  	[tilespmem:$0x2800] =	vst v0  }
0x10: {  	[tilespmem:$0x2810] =	vst v0  }
0x11: {  	[tilespmem:$0x2820] =	vst v0  }
0x12: {  	[tilespmem:$0x2830] =	vst v0  }
0x13: {  	[tilespmem:$0x2840] =	vst v0  }
0x14: {  	[tilespmem:$0x2850] =	vst v0  }
0x15: {  	[tilespmem:$0x2860] =	vst v0  }
0x16: {  	[tilespmem:$0x2870] =	vst v0  }
0x17: {  	[tilespmem:$0x2880] =	vst v1  }
0x18: {  	[tilespmem:$0x2890] =	vst v1  }
0x19: {  	[tilespmem:$0x28A0] =	vst v1  }
0x1a: {  	[tilespmem:$0x28B0] =	vst v1  }
0x1b: {  	[tilespmem:$0x28C0] =	vst v1  }
0x1c: {  	[tilespmem:$0x28D0] =	vst v1  }
0x1d: {  	[tilespmem:$0x28E0] =	vst v1  }
0x1e: {  	[tilespmem:$0x28F0] =	vst v1  }
0x1f: {  	[tilespmem:$0x2900] =	vst v1  }
0x20: {  	[tilespmem:$0x2910] =	vst v1  }
0x21: {  	[tilespmem:$0x2920] =	vst v1  }
0x22: {  	[tilespmem:$0x2930] =	vst v1  }
0x23: {  	[tilespmem:$0x2940] =	vst v1  }
0x24: {  	[tilespmem:$0x2950] =	vst v1  }
0x25: {  	[tilespmem:$0x2960] =	vst v1  }
0x26: {  	[tilespmem:$0x2970] =	vst v1  }
0x27: {  	[tilespmem:$0x2980] =	vst v1  }
0x28: {  	[tilespmem:$0x2990] =	vst v1  }
0x29: {  	[tilespmem:$0x29A0] =	vst v1  }
0x2a: {  	[tilespmem:$0x29B0] =	vst v1  }
0x2b: {  	[tilespmem:$0x29C0] =	vst v1  }
0x2c: {  	[tilespmem:$0x29D0] =	vst v1  }
0x2d: {  	[tilespmem:$0x29E0] =	vst v1  }
0x2e: {  	[tilespmem:$0x29F0] =	vst v1  }
0x2f: {  	[tilespmem:$0x2A00] =	vst v1  }
0x30: {  	[tilespmem:$0x2A10] =	vst v1  }
0x31: {  	[tilespmem:$0x2A20] =	vst v1  }
0x32: {  	[tilespmem:$0x2A30] =	vst v1  }
0x33: {  	[tilespmem:$0x2A40] =	vst v1  }
0x34: {  	[tilespmem:$0x2A50] =	vst v1  }
0x35: {  	[tilespmem:$0x2A60] =	vst v1  }
0x36: {  	[tilespmem:$0x2A70] =	vst v1  }
0x37: {  	[tilespmem:$0x2A80] =	vst v1  }
0x38: {  	[tilespmem:$0x2A90] =	vst v1  }
0x39: {  	[tilespmem:$0x2AA0] =	vst v1  }
0x3a: {  	[tilespmem:$0x2AB0] =	vst v1  }
0x3b: {  	[tilespmem:$0x2AC0] =	vst v1  }
0x3c: {  	[tilespmem:$0x2AD0] =	vst v1  }
0x3d: {  	[tilespmem:$0x2AE0] =	vst v1  }
0x3e: {  	[tilespmem:$0x2AF0] =	vst v1  }
0x3f: {  	[spmem:s4] =	stream.linear.scatter [tilespmem:s8], [sflag:$0x1], $0x280, $0x38;
	[tilespmem:$0x2D80] =	vst v63  }
0x40: {  	_ =	swait.ge [sflag:s9], $0x280  }
0x41: {  	[sflag:s9] =	ssyncset.done $0x0  }
0x42: {  	[sflag:s9] =	ssyncadd.s32 $0xFFFFFD80  }
0x43: {  	[bflag:$0x0] =	sbarrier.arrive $0xFFFF  }
0x44: {  	[tilespmem:s3], [sflag:$0x1] =	stream.linear.gather [hbm4b:s5+s3], $0x2800, $0x38;
	[tilespmem:$0x2D80] =	vst v63  }
0x45: {  	_ =	swait.ge [sflag:s9], $0x2800  }
0x46: {  	[sflag:s9] =	ssyncset.done $0x0  }
0x47: {  	s17 =	simm.s32 $0x0;
	[sflag:s9] =	ssyncadd.s32 $0xFFFFD800  }
0x48: {  	[spmem:s2] =	stream.indirect.scatter.add.f32 [tilespmem:s11], [sflag:$0x1], $0x1, s17, s10, $0xb8;
	[tilespmem:$0x2D80] =	vst v63  }
0x49: {  	_ =	swait.ge [sflag:s9], $0x80  }
0x4a: {  	s17 =	simm.s32 $0x200;
	[sflag:s9] =	ssyncset.done $0x0  }
.LBB2_2:
0x4b: {  	s18 =	sshra.s32 s17, $0x2;
	[sflag:s9] =	ssyncadd.s32 $0xFFFFFF80;
	p0 =	sne.s32 s17, $0x9E00  }
0x4c: {  	[spmem:s2] =	stream.indirect.scatter.add.f32 [tilespmem:s11], [sflag:$0x1], $0x1, s18, s10, $0xb8;
	[tilespmem:$0x2D80] =	vst v63  }
.Ltmp0:
0x4d: {  	_ = 	snop;
	(pc) =	sbr.rel @p0 .LBB2_2-.Ltmp0, $4  }
0x4e: {  	_ = 	snop  }
0x4f: {  	s17 =	sadd.s32 $0x200, s17  }
0x50: {  	_ =	swait.ge [sflag:s9], $0x80  }
0x51: {  	[sflag:s9] =	ssyncset.done $0x0  }
0x52: {  	s16 =	sadd.s32 $0x1, s16  }
0x53: {  	[sflag:s9] =	ssyncadd.s32 $0xFFFFFF80;
	p0 =	sne.s32 s16, s7  }
.Ltmp1:
0x54: {  	[bflag:$0x0] =	sbarrier.arrive $0xFFFF;
	(pc) =	sbr.rel @p0 .LBB2_1-.Ltmp1, $4  }
0x55: {  	[hbm:s6@s14], [sflag:s12] =	dma.strided [spmem:s13@s15], $0x50, s9, $0x10   }
0x56: {  	_ =	swait.ge [sflag:s9], $0x50  }
0x57: {  	[sflag:s9] =	ssyncset.done $0x0  }
0x58: {  	[sflag:s9] =	ssyncadd.s32 $0xFFFFFFB0  }
0x59: {  	_ =	sfence.sel $0x180000  }
0x5a: {  	[bflag:$0x0] =	sbarrier.arrive $0xFFFF  }
0x5b: {  	p0 =	sne.s32 s0, $0x0;
	_ =	strace $0x90000047  }
0x5c: {  	s0 =	sadd.s32 @!p0 $0x100000, s1;
	[bflag:$0x2] =	sbarrier.arrive $0xFFFF  }
0x5d: {  	[sflag:s0] =	ssyncadd.tile.s32 @!p0 $0x1;
	_ =	shalt  }
.Lfunc_end2:
_tile_overlayer_lowered:
.L_overlay_start_2:
0x5e: {  	(tag) =	ssettag $0x2  }
0x5f: {  	s0 =	rddreg [dreg:$0x0];
	s2 =	stileid.u32  }
0x60: {  	s1 =	rddreg [dreg:$0x1];
	p0 =	sne.s32 s2, $0x0  }
0x61: {  	s3 =	rddreg [dreg:$0x2];
	[bflag:$0x3] =	sbarrier.arrive $0xFFFF;
	s2 =	simm.s32 @!p0 $0x1C01  }
0x62: {  	[timem:s3], [sflag:s2] =	dma.local @!p0 [hbm:s0], s1  }
0x63: {  	s0 =	simm.s32 @!p0 $0x1  }
0x64: {  	_ =	swait.ge @!p0 [sflag:s0], s1  }
0x65: {  	s1 =	ssub.s32 @!p0 $0x0, s1;
	[sflag:s0] =	ssyncset.done @!p0 $0x0  }
0x66: {  	[sflag:s0] =	ssyncadd.s32 @!p0 s1  }
0x67: {  	[bflag:$0x3] =	sbarrier.arrive $0xFFFF  }
0x68: {  	_ =	shalt  }

</sc_bundles>
